<compile_context>
chip_gen: v7x
topology: tpu7x:2x2x1
jax: 0.10.2.dev20260603
libtpu: 0.0.44.dev20260713+nightly
codegen_flags: <defaults>
</compile_context>

<pallas_src>
import functools

import jax
import jax.numpy as jnp
from jax import lax
from jax.experimental import pallas as pl
from jax.experimental.pallas import tpu as pltpu
from jax.experimental.pallas import tpu_sc as plsc

T = 2048
D = 1024
E = 8
TOPK = 2
NG = 4
F = 512
FS = 2 * F

BT = 512
A = T * TOPK
BR = 256
NB = 24
NSLOT = NB * BR
NEG = -1e30

NC, NS = 2, 16
NW = NC * NS



def _router_body(x_ref, gw_ref, eb_ref, eidx_ref, w_ref, lr_ref, bc_ref):
    xb = x_ref[...]
    logits = jnp.dot(xb, gw_ref[...], preferred_element_type=jnp.float32)
    lt = logits.T
    s = jax.nn.sigmoid(lt)
    sc = s + eb_ref[...]

    iota8 = lax.broadcasted_iota(jnp.int32, (E, BT), 0)
    iota4 = lax.broadcasted_iota(jnp.int32, (NG, BT), 0)

    gs = jnp.concatenate(
        [sc[2 * g:2 * g + 1] + sc[2 * g + 1:2 * g + 2] for g in range(NG)],
        axis=0)

    m1 = jnp.max(gs, axis=0, keepdims=True)
    i1 = jnp.min(jnp.where(gs == m1, iota4, NG), axis=0, keepdims=True)
    gs2 = jnp.where(iota4 == i1, NEG, gs)
    m2 = jnp.max(gs2, axis=0, keepdims=True)
    i2 = jnp.min(jnp.where(gs2 == m2, iota4, NG), axis=0, keepdims=True)
    gmask = jnp.logical_or(iota4 == i1, iota4 == i2).astype(jnp.float32)

    smask = jnp.concatenate(
        [gmask[g:g + 1] for g in range(NG) for _ in range(E // NG)], axis=0)
    msc = jnp.where(smask > 0.5, sc, NEG)

    em1 = jnp.max(msc, axis=0, keepdims=True)
    e1 = jnp.min(jnp.where(msc == em1, iota8, E), axis=0, keepdims=True)
    w1 = jnp.sum(jnp.where(iota8 == e1, s, 0.0), axis=0, keepdims=True)
    msc2 = jnp.where(iota8 == e1, NEG, msc)
    em2 = jnp.max(msc2, axis=0, keepdims=True)
    e2 = jnp.min(jnp.where(msc2 == em2, iota8, E), axis=0, keepdims=True)
    w2 = jnp.sum(jnp.where(iota8 == e2, s, 0.0), axis=0, keepdims=True)

    oh1 = (iota8 == e1).astype(jnp.float32)
    oh2 = (iota8 == e2).astype(jnp.float32)
    ohsum = oh1 + oh2
    r_i = lax.broadcasted_iota(jnp.int32, (BT, BT), 0)
    c_i = lax.broadcasted_iota(jnp.int32, (BT, BT), 1)
    triu = (r_i < c_i).astype(jnp.float32)
    csum_prev = jnp.dot(ohsum, triu, preferred_element_type=jnp.float32)
    lr1 = jnp.sum(oh1 * csum_prev, axis=0, keepdims=True)
    lr2 = jnp.sum(oh2 * csum_prev, axis=0, keepdims=True)

    eidx_ref[...] = jnp.concatenate(
        [e1, e2], axis=0).astype(jnp.float32).T.astype(jnp.int32)
    w_ref[...] = jnp.concatenate([w1, w2], axis=0).T
    lr_ref[...] = jnp.concatenate([lr1, lr2], axis=0).T.astype(jnp.int32)
    bc_ref[...] = jnp.sum(ohsum, axis=1, keepdims=True).T[None].astype(jnp.int32)


def _router(x_flat, gate_w, e_bias):
    nblk = T // BT
    return pl.pallas_call(
        _router_body,
        grid=(nblk,),
        in_specs=[
            pl.BlockSpec((BT, D), lambda i: (i, 0)),
            pl.BlockSpec((D, E), lambda i: (0, 0)),
            pl.BlockSpec((E, 1), lambda i: (0, 0)),
        ],
        out_specs=[
            pl.BlockSpec((BT, TOPK), lambda i: (i, 0)),
            pl.BlockSpec((BT, TOPK), lambda i: (i, 0)),
            pl.BlockSpec((BT, TOPK), lambda i: (i, 0)),
            pl.BlockSpec((1, 1, E), lambda i: (i, 0, 0)),
        ],
        out_shape=[
            jax.ShapeDtypeStruct((T, TOPK), jnp.int32),
            jax.ShapeDtypeStruct((T, TOPK), jnp.float32),
            jax.ShapeDtypeStruct((T, TOPK), jnp.int32),
            jax.ShapeDtypeStruct((nblk, 1, E), jnp.int32),
        ],
    )(x_flat, gate_w, e_bias.reshape(E, 1))



def _finalize_body(bc_ref, eidx_ref, lr_ref, pos_ref, p0_ref, p1_ref, be_ref, bv_ref):
    i = pl.program_id(0)
    nblk = pl.num_programs(0)
    bc = bc_ref[...]
    counts = jnp.sum(bc, axis=(0, 1))[None, :]
    iota8r = lax.broadcasted_iota(jnp.int32, (1, E), 1)

    bs_acc = jnp.zeros((), jnp.int32)
    base = jnp.zeros((1, E), jnp.int32)
    ends = []
    for e in range(E):
        c_e = jnp.sum(jnp.where(iota8r == e, counts, 0))
        nb_e = (c_e + (BR - 1)) >> 8
        base = base + jnp.where(iota8r == e, bs_acc * BR, 0)
        bs_acc = bs_acc + nb_e
        ends.append(bs_acc)

    jiota = lax.broadcasted_iota(jnp.int32, (1, 64), 1)
    be_raw = jnp.zeros((1, 64), jnp.int32)
    lastbe = jnp.zeros((), jnp.int32)
    for e in range(E):
        be_raw = be_raw + (jiota >= ends[e]).astype(jnp.int32)
        nb_e = ends[e] - (ends[e - 1] if e else 0)
        lastbe = jnp.where(nb_e > 0, e, lastbe)
    valid = jiota < bs_acc
    be_ref[...] = jnp.where(valid, jnp.minimum(be_raw, E - 1), lastbe)
    bv_ref[...] = valid.astype(jnp.int32)

    blk_i = lax.broadcasted_iota(jnp.int32, (nblk, 1, E), 0)
    prior = jnp.sum(jnp.where(blk_i < i, bc, 0), axis=(0, 1))[None, :]
    seg = base + prior
    eidx = eidx_ref[...]
    lr = lr_ref[...]
    iota8 = lax.broadcasted_iota(jnp.int32, (BT, E), 1)
    p = []
    for k in range(TOPK):
        ohk = (iota8 == eidx[:, k:k + 1]).astype(jnp.int32)
        p.append(jnp.sum(ohk * seg, axis=1, keepdims=True) + lr[:, k:k + 1])
    pos_ref[...] = jnp.concatenate(p, axis=1)
    p0_ref[...] = p[0].T
    p1_ref[...] = p[1].T


def _finalize(bc, eidx, lr):
    nblk = T // BT
    return pl.pallas_call(
        _finalize_body,
        grid=(nblk,),
        in_specs=[
            pl.BlockSpec((nblk, 1, E), lambda i: (0, 0, 0)),
            pl.BlockSpec((BT, TOPK), lambda i: (i, 0)),
            pl.BlockSpec((BT, TOPK), lambda i: (i, 0)),
        ],
        out_specs=[
            pl.BlockSpec((BT, TOPK), lambda i: (i, 0)),
            pl.BlockSpec((1, BT), lambda i: (0, i)),
            pl.BlockSpec((1, BT), lambda i: (0, i)),
            pl.BlockSpec((1, 64), lambda i: (0, 0)),
            pl.BlockSpec((1, 64), lambda i: (0, 0)),
        ],
        out_shape=[
            jax.ShapeDtypeStruct((T, TOPK), jnp.int32),
            jax.ShapeDtypeStruct((1, T), jnp.int32),
            jax.ShapeDtypeStruct((1, T), jnp.int32),
            jax.ShapeDtypeStruct((1, 64), jnp.int32),
            jax.ShapeDtypeStruct((1, 64), jnp.int32),
        ],
    )(bc, eidx, lr)



def _sc_scatter_x(x_flat, pos0, pos1):
    t_per_w = T // NW
    mesh = plsc.VectorSubcoreMesh(core_axis_name="c", subcore_axis_name="s")

    @functools.partial(
        pl.kernel, mesh=mesh,
        out_type=jax.ShapeDtypeStruct((NSLOT, D), jnp.float32),
        scratch_types=[
            pltpu.VMEM((t_per_w,), jnp.int32),
            pltpu.VMEM((t_per_w,), jnp.int32),
            pltpu.VMEM((t_per_w, D), jnp.float32),
            pltpu.SemaphoreType.DMA,
            pltpu.SemaphoreType.DMA,
            pltpu.SemaphoreType.DMA,
        ],
    )
    def k(x_hbm, p0_hbm, p1_hbm, xs_hbm, i0_v, i1_v, rows_v, s0, s1, s2):
        cid = lax.axis_index("c")
        sid = lax.axis_index("s")
        wid = sid * NC + cid
        t0 = wid * t_per_w
        c0 = pltpu.async_copy(x_hbm.at[pl.ds(t0, t_per_w)], rows_v, s0)
        c1 = pltpu.async_copy(p0_hbm.at[pl.ds(t0, t_per_w)], i0_v, s1)
        c2 = pltpu.async_copy(p1_hbm.at[pl.ds(t0, t_per_w)], i1_v, s2)
        c0.wait()
        c1.wait()
        c2.wait()
        w0 = pltpu.async_copy(rows_v, xs_hbm.at[i0_v], s1)
        w1 = pltpu.async_copy(rows_v, xs_hbm.at[i1_v], s2)
        w0.wait()
        w1.wait()

    return k(x_flat, pos0, pos1)



def _sc_gather_rows(table, idx, nrows, chunk):
    b_per_w = nrows // NW
    nchunk = b_per_w // chunk
    mesh = plsc.VectorSubcoreMesh(core_axis_name="c", subcore_axis_name="s")

    @functools.partial(
        pl.kernel, mesh=mesh,
        out_type=jax.ShapeDtypeStruct((nrows, D), jnp.float32),
        scratch_types=[
            pltpu.VMEM((chunk,), jnp.int32),
            pltpu.VMEM((chunk, D), jnp.float32),
            pltpu.SemaphoreType.DMA,
        ],
    )
    def k(table_hbm, idx_hbm, out_hbm, idx_v, rows_v, sem):
        cid = lax.axis_index("c")
        sid = lax.axis_index("s")
        wid = sid * NC + cid
        for j in range(nchunk):
            base = wid * b_per_w + j * chunk
            pltpu.sync_copy(idx_hbm.at[pl.ds(base, chunk)], idx_v)
            pltpu.async_copy(table_hbm.at[idx_v], rows_v, sem).wait()
            pltpu.sync_copy(rows_v, out_hbm.at[pl.ds(base, chunk)])

    return k(table, idx)



def _grouped_body(be_ref, bv_ref, xs_ref, wg_ref, wu_ref, wd_ref, y_ref):
    j = pl.program_id(0)

    @pl.when(bv_ref[j] == 1)
    def _():
        xb = xs_ref[...]
        g = jnp.dot(xb, wg_ref[0], preferred_element_type=jnp.float32)
        u = jnp.dot(xb, wu_ref[0], preferred_element_type=jnp.float32)
        h = (g * jax.nn.sigmoid(g)) * u
        y_ref[...] = jnp.dot(h, wd_ref[0], preferred_element_type=jnp.float32)


def _grouped(xs, Wg, Wu, Wd, be, bv):
    grid_spec = pltpu.PrefetchScalarGridSpec(
        num_scalar_prefetch=2,
        grid=(NB,),
        in_specs=[
            pl.BlockSpec((BR, D), lambda j, be, bv: (j * bv[j], 0)),
            pl.BlockSpec((1, D, F), lambda j, be, bv: (be[j], 0, 0)),
            pl.BlockSpec((1, D, F), lambda j, be, bv: (be[j], 0, 0)),
            pl.BlockSpec((1, F, D), lambda j, be, bv: (be[j], 0, 0)),
        ],
        out_specs=pl.BlockSpec(
            (BR, D), lambda j, be, bv: (j * bv[j] + (NB - 1) * (1 - bv[j]), 0)),
    )
    return pl.pallas_call(
        _grouped_body,
        grid_spec=grid_spec,
        out_shape=jax.ShapeDtypeStruct((NSLOT, D), jnp.float32),
    )(be, bv, xs, Wg, Wu, Wd)



def _shared_body(x_ref, sg_ref, su_ref, sd_ref, out_ref):
    xb = x_ref[...]
    g = jnp.dot(xb, sg_ref[...], preferred_element_type=jnp.float32)
    u = jnp.dot(xb, su_ref[...], preferred_element_type=jnp.float32)
    h = (g * jax.nn.sigmoid(g)) * u
    out_ref[...] = jnp.dot(h, sd_ref[...], preferred_element_type=jnp.float32)


def _shared(x_flat, Sg, Su, Sd):
    return pl.pallas_call(
        _shared_body,
        grid=(T // BT,),
        in_specs=[
            pl.BlockSpec((BT, D), lambda i: (i, 0)),
            pl.BlockSpec((D, FS), lambda i: (0, 0)),
            pl.BlockSpec((D, FS), lambda i: (0, 0)),
            pl.BlockSpec((FS, D), lambda i: (0, 0)),
        ],
        out_specs=pl.BlockSpec((BT, D), lambda i: (i, 0)),
        out_shape=jax.ShapeDtypeStruct((T, D), jnp.float32),
    )(x_flat, Sg, Su, Sd)


def _combine_body(ysh_ref, yg_ref, w_ref, out_ref):
    w0 = w_ref[:, 0:1]
    w1 = w_ref[:, 1:2]
    yg = yg_ref[...]
    out_ref[...] = ysh_ref[...] + w0 * yg[:, :D] + w1 * yg[:, D:]


def _combine(ysh, yg2, w):
    return pl.pallas_call(
        _combine_body,
        grid=(T // BT,),
        in_specs=[
            pl.BlockSpec((BT, D), lambda i: (i, 0)),
            pl.BlockSpec((BT, 2 * D), lambda i: (i, 0)),
            pl.BlockSpec((BT, TOPK), lambda i: (i, 0)),
        ],
        out_specs=pl.BlockSpec((BT, D), lambda i: (i, 0)),
        out_shape=jax.ShapeDtypeStruct((T, D), jnp.float32),
    )(ysh, yg2, w)



def kernel(x, gate_w, e_bias, Wg, Wu, Wd, Sg, Su, Sd):
    bsz, seq, dim = x.shape
    x_flat = x.reshape(-1, dim)

    eidx, w, lr, bc = _router(x_flat, gate_w, e_bias)
    pos, p0r, p1r, ber, bvr = _finalize(bc, eidx, lr)
    be = ber.reshape(64)
    bv = bvr.reshape(64)

    pos_flat = pos.reshape(A)
    xs = _sc_scatter_x(x_flat, p0r.reshape(T), p1r.reshape(T))
    ysh = _shared(x_flat, Sg, Su, Sd)
    y = _grouped(xs, Wg, Wu, Wd, be, bv)
    yg = _sc_gather_rows(y, pos_flat, A, 64)
    out = _combine(ysh, yg.reshape(T, 2 * D), w)
    return out.reshape(bsz, seq, dim)

# --- scband reference (transcript-rebuilt; emitter-appended) ---
"""Pipeline reference for scband-deepseek-mo-e-pt-23347442221518 (READ-ONLY COPY).

The authoritative reference and input builder live on the scoring server;
editing this copy changes nothing except your own understanding.
"""

import jax, jax.numpy as jnp
import numpy as np

B, S, D = 1, 2048, 1024
E, TOPK = 8, 2
NG, TG = 4, 2
F = 512
NSHARED = 2
FS = F * NSHARED


def setup_inputs(seed: int = 0) -> dict:
    key = jax.random.key(seed)
    ks = jax.random.split(key, 10)
    x = jax.random.normal(ks[0], (B, S, D), dtype=jnp.float32)
    gate_w = jax.random.normal(ks[1], (D, E), dtype=jnp.float32) * 0.02
    e_bias = jnp.zeros((E,), dtype=jnp.float32)
    Wg = jax.random.normal(ks[2], (E, D, F), dtype=jnp.float32) * 0.02
    Wu = jax.random.normal(ks[3], (E, D, F), dtype=jnp.float32) * 0.02
    Wd = jax.random.normal(ks[4], (E, F, D), dtype=jnp.float32) * 0.02
    Sg = jax.random.normal(ks[5], (D, FS), dtype=jnp.float32) * 0.02
    Su = jax.random.normal(ks[6], (D, FS), dtype=jnp.float32) * 0.02
    Sd = jax.random.normal(ks[7], (FS, D), dtype=jnp.float32) * 0.02
    return {"x": x, "gate_w": gate_w, "e_bias": e_bias, "Wg": Wg, "Wu": Wu, "Wd": Wd, "Sg": Sg, "Su": Su, "Sd": Sd}


def _silu(v):
    return v * jax.nn.sigmoid(v)


def reference(x, gate_w, e_bias, Wg, Wu, Wd, Sg, Su, Sd):
    bsz, seq_len, dim = x.shape
    x_flat = x.reshape(-1, dim)
    T = x_flat.shape[0]
    # router
    router_logits = x_flat @ gate_w                      # [T, E]
    scores = jax.nn.sigmoid(router_logits)
    scores_for_choice = scores + e_bias[None, :]
    # group-limited routing (n_group > 1)
    gs = scores_for_choice.reshape(T, NG, E // NG)
    group_scores = jnp.sum(jax.lax.top_k(gs, 2)[0], axis=-1)          # [T, NG]
    _, group_idx = jax.lax.top_k(group_scores, TG)                    # [T, TG]
    group_mask = jnp.sum(jax.nn.one_hot(group_idx, NG, dtype=jnp.float32), axis=1)  # [T, NG]
    score_mask = jnp.repeat(group_mask, E // NG, axis=1)              # [T, E]
    scores_for_choice = jnp.where(score_mask > 0, scores_for_choice, -jnp.inf)
    # top-k experts per token
    _, topk_indices = jax.lax.top_k(scores_for_choice, TOPK)          # [T, TOPK]
    topk_weights = jnp.take_along_axis(scores, topk_indices, axis=1)  # [T, TOPK]
    # combine weights per expert
    combine = jnp.einsum('tk,tke->te', topk_weights,
                         jax.nn.one_hot(topk_indices, E, dtype=jnp.float32))  # [T, E]
    final_h = jnp.zeros_like(x_flat)
    for i in range(E):
        h = (_silu(x_flat @ Wg[i]) * (x_flat @ Wu[i])) @ Wd[i]
        final_h = final_h + h * combine[:, i:i + 1]
    shared_output = (_silu(x_flat @ Sg) * (x_flat @ Su)) @ Sd
    return (final_h + shared_output).reshape(bsz, seq_len, dim)

if __name__ == "__main__":
    import jax
    _d = setup_inputs()
    print(jax.jit(kernel)(*tuple(_d.values())))

</pallas_src>

<mosaic_0001>
#map = affine_map<(d0, d1) -> (0, 0)>
#map1 = affine_map<(d0, d1) -> (0)>
module attributes {stable_mosaic.version = 14 : i64} {
  func.func @k(%arg0: i32, %arg1: i32, %arg2: memref<6144x1024xf32, #tpu.memory_space<hbm>>, %arg3: memref<4096xi32, #tpu.memory_space<hbm>>, %arg4: memref<4096x1024xf32, #tpu.memory_space<hbm>>, %arg5: memref<64xi32, #tpu.memory_space<vmem>>, %arg6: memref<64x1024xf32, #tpu.memory_space<vmem>>, %arg7: memref<!tpu.dma_semaphore, #tpu.memory_space<semaphore_mem>>) attributes {dimension_semantics = [#tpu.dimension_semantics<core_parallel>, #tpu.dimension_semantics<subcore_parallel>], iteration_bounds = array<i64: 2, 16>, scalar_prefetch = 0 : i64, scratch_operands = 3 : i64, tpu.core_type = #tpu.core_type<sc_vector_subcore>, window_params = [{transform_indices = #map}, {transform_indices = #map1}, {transform_indices = #map}]} {
    %mul3A = arith.constant 2 : i32
    %mul3A_0 = arith.muli %arg1, %mul3A : i32
    %add3A = arith.addi %mul3A_0, %arg0 : i32
    %mul3A_1 = arith.constant 128 : i32
    %mul3A_2 = arith.muli %add3A, %mul3A_1 : i32
    %add3A_3 = arith.constant 0 : i32
    %add3A_4 = arith.addi %mul3A_2, %add3A_3 : i32
    "tpu.region"() ({
      %run_scoped3A = tpu.sem_alloc : memref<!tpu.dma_semaphore, #tpu.memory_space<semaphore_mem>>
      %dma_start3A_19 = tpu.memref_slice %arg3[%add3A_4] : memref<4096xi32, #tpu.memory_space<hbm>> -> memref<64xi32, #tpu.memory_space<hbm>>
      %dma_start3A_20 = tpu.memref_slice %arg3[%add3A_4] : memref<4096xi32, #tpu.memory_space<hbm>> -> memref<64xi32, #tpu.memory_space<hbm>>
      tpu.enqueue_dma source(%dma_start3A_20 : memref<64xi32, #tpu.memory_space<hbm>>) target(%arg5 : memref<64xi32, #tpu.memory_space<vmem>>) target_semaphore(%run_scoped3A : memref<!tpu.dma_semaphore, #tpu.memory_space<semaphore_mem>>)
      %dma_wait3A_21 = tpu.memref_slice %arg3[%add3A_4] : memref<4096xi32, #tpu.memory_space<hbm>> -> memref<64xi32, #tpu.memory_space<hbm>>
      %dma_wait3A_22 = tpu.memref_slice %arg3[%add3A_4] : memref<4096xi32, #tpu.memory_space<hbm>> -> memref<64xi32, #tpu.memory_space<hbm>>
      tpu.wait_dma2 semaphore(%run_scoped3A : memref<!tpu.dma_semaphore, #tpu.memory_space<semaphore_mem>>) src(%dma_wait3A_22 : memref<64xi32, #tpu.memory_space<hbm>>) dst(%arg5 : memref<64xi32, #tpu.memory_space<vmem>>)
      tpu.yield
    }) : () -> ()
    %dma_start3A = arith.constant 0 : i32
    %dma_start3A_5 = arith.constant 0 : i32
    %dma_start3A_6 = tpu.memref_slice %arg2[%dma_start3A, %dma_start3A_5] : memref<6144x1024xf32, #tpu.memory_space<hbm>> -> memref<6144x1024xf32, #tpu.memory_space<hbm>>
    tpu.enqueue_indirect_dma source(%dma_start3A_6 : memref<6144x1024xf32, #tpu.memory_space<hbm>>) target(%arg6 : memref<64x1024xf32, #tpu.memory_space<vmem>>) offsets(%arg5 : memref<64xi32, #tpu.memory_space<vmem>>) semaphore(%arg7 : memref<!tpu.dma_semaphore, #tpu.memory_space<semaphore_mem>>)
    %dma_wait3A = arith.constant 0 : i32
    %dma_wait3A_7 = arith.constant 0 : i32
    %dma_wait3A_8 = tpu.memref_slice %arg2[%dma_wait3A, %dma_wait3A_7] : memref<6144x1024xf32, #tpu.memory_space<hbm>> -> memref<6144x1024xf32, #tpu.memory_space<hbm>>
    tpu.wait_indirect_dma semaphore(%arg7 : memref<!tpu.dma_semaphore, #tpu.memory_space<semaphore_mem>>) src(%dma_wait3A_8 : memref<6144x1024xf32, #tpu.memory_space<hbm>>) dst(%arg6 : memref<64x1024xf32, #tpu.memory_space<vmem>>)
    "tpu.region"() ({
      %run_scoped3A = tpu.sem_alloc : memref<!tpu.dma_semaphore, #tpu.memory_space<semaphore_mem>>
      %dma_start3A_19 = arith.constant 0 : i32
      %dma_start3A_20 = tpu.memref_slice %arg4[%add3A_4, %dma_start3A_19] : memref<4096x1024xf32, #tpu.memory_space<hbm>> -> memref<64x1024xf32, #tpu.memory_space<hbm>>
      %dma_start3A_21 = arith.constant 0 : i32
      %dma_start3A_22 = tpu.memref_slice %arg4[%add3A_4, %dma_start3A_21] : memref<4096x1024xf32, #tpu.memory_space<hbm>> -> memref<64x1024xf32, #tpu.memory_space<hbm>>
      tpu.enqueue_dma source(%arg6 : memref<64x1024xf32, #tpu.memory_space<vmem>>) target(%dma_start3A_22 : memref<64x1024xf32, #tpu.memory_space<hbm>>) target_semaphore(%run_scoped3A : memref<!tpu.dma_semaphore, #tpu.memory_space<semaphore_mem>>)
      %dma_wait3A_23 = arith.constant 0 : i32
      %dma_wait3A_24 = tpu.memref_slice %arg4[%add3A_4, %dma_wait3A_23] : memref<4096x1024xf32, #tpu.memory_space<hbm>> -> memref<64x1024xf32, #tpu.memory_space<hbm>>
      %dma_wait3A_25 = arith.constant 0 : i32
      %dma_wait3A_26 = tpu.memref_slice %arg4[%add3A_4, %dma_wait3A_25] : memref<4096x1024xf32, #tpu.memory_space<hbm>> -> memref<64x1024xf32, #tpu.memory_space<hbm>>
      tpu.wait_dma2 semaphore(%run_scoped3A : memref<!tpu.dma_semaphore, #tpu.memory_space<semaphore_mem>>) src(%arg6 : memref<64x1024xf32, #tpu.memory_space<vmem>>) dst(%dma_wait3A_26 : memref<64x1024xf32, #tpu.memory_space<hbm>>)
      tpu.yield
    }) : () -> ()
    %mul3A_9 = arith.constant 128 : i32
    %mul3A_10 = arith.muli %add3A, %mul3A_9 : i32
    %add3A_11 = arith.constant 64 : i32
    %add3A_12 = arith.addi %mul3A_10, %add3A_11 : i32
    "tpu.region"() ({
      %run_scoped3A = tpu.sem_alloc : memref<!tpu.dma_semaphore, #tpu.memory_space<semaphore_mem>>
      %dma_start3A_19 = tpu.memref_slice %arg3[%add3A_12] : memref<4096xi32, #tpu.memory_space<hbm>> -> memref<64xi32, #tpu.memory_space<hbm>>
      %dma_start3A_20 = tpu.memref_slice %arg3[%add3A_12] : memref<4096xi32, #tpu.memory_space<hbm>> -> memref<64xi32, #tpu.memory_space<hbm>>
      tpu.enqueue_dma source(%dma_start3A_20 : memref<64xi32, #tpu.memory_space<hbm>>) target(%arg5 : memref<64xi32, #tpu.memory_space<vmem>>) target_semaphore(%run_scoped3A : memref<!tpu.dma_semaphore, #tpu.memory_space<semaphore_mem>>)
      %dma_wait3A_21 = tpu.memref_slice %arg3[%add3A_12] : memref<4096xi32, #tpu.memory_space<hbm>> -> memref<64xi32, #tpu.memory_space<hbm>>
      %dma_wait3A_22 = tpu.memref_slice %arg3[%add3A_12] : memref<4096xi32, #tpu.memory_space<hbm>> -> memref<64xi32, #tpu.memory_space<hbm>>
      tpu.wait_dma2 semaphore(%run_scoped3A : memref<!tpu.dma_semaphore, #tpu.memory_space<semaphore_mem>>) src(%dma_wait3A_22 : memref<64xi32, #tpu.memory_space<hbm>>) dst(%arg5 : memref<64xi32, #tpu.memory_space<vmem>>)
      tpu.yield
    }) : () -> ()
    %dma_start3A_13 = arith.constant 0 : i32
    %dma_start3A_14 = arith.constant 0 : i32
    %dma_start3A_15 = tpu.memref_slice %arg2[%dma_start3A_13, %dma_start3A_14] : memref<6144x1024xf32, #tpu.memory_space<hbm>> -> memref<6144x1024xf32, #tpu.memory_space<hbm>>
    tpu.enqueue_indirect_dma source(%dma_start3A_15 : memref<6144x1024xf32, #tpu.memory_space<hbm>>) target(%arg6 : memref<64x1024xf32, #tpu.memory_space<vmem>>) offsets(%arg5 : memref<64xi32, #tpu.memory_space<vmem>>) semaphore(%arg7 : memref<!tpu.dma_semaphore, #tpu.memory_space<semaphore_mem>>)
    %dma_wait3A_16 = arith.constant 0 : i32
    %dma_wait3A_17 = arith.constant 0 : i32
    %dma_wait3A_18 = tpu.memref_slice %arg2[%dma_wait3A_16, %dma_wait3A_17] : memref<6144x1024xf32, #tpu.memory_space<hbm>> -> memref<6144x1024xf32, #tpu.memory_space<hbm>>
    tpu.wait_indirect_dma semaphore(%arg7 : memref<!tpu.dma_semaphore, #tpu.memory_space<semaphore_mem>>) src(%dma_wait3A_18 : memref<6144x1024xf32, #tpu.memory_space<hbm>>) dst(%arg6 : memref<64x1024xf32, #tpu.memory_space<vmem>>)
    "tpu.region"() ({
      %run_scoped3A = tpu.sem_alloc : memref<!tpu.dma_semaphore, #tpu.memory_space<semaphore_mem>>
      %dma_start3A_19 = arith.constant 0 : i32
      %dma_start3A_20 = tpu.memref_slice %arg4[%add3A_12, %dma_start3A_19] : memref<4096x1024xf32, #tpu.memory_space<hbm>> -> memref<64x1024xf32, #tpu.memory_space<hbm>>
      %dma_start3A_21 = arith.constant 0 : i32
      %dma_start3A_22 = tpu.memref_slice %arg4[%add3A_12, %dma_start3A_21] : memref<4096x1024xf32, #tpu.memory_space<hbm>> -> memref<64x1024xf32, #tpu.memory_space<hbm>>
      tpu.enqueue_dma source(%arg6 : memref<64x1024xf32, #tpu.memory_space<vmem>>) target(%dma_start3A_22 : memref<64x1024xf32, #tpu.memory_space<hbm>>) target_semaphore(%run_scoped3A : memref<!tpu.dma_semaphore, #tpu.memory_space<semaphore_mem>>)
      %dma_wait3A_23 = arith.constant 0 : i32
      %dma_wait3A_24 = tpu.memref_slice %arg4[%add3A_12, %dma_wait3A_23] : memref<4096x1024xf32, #tpu.memory_space<hbm>> -> memref<64x1024xf32, #tpu.memory_space<hbm>>
      %dma_wait3A_25 = arith.constant 0 : i32
      %dma_wait3A_26 = tpu.memref_slice %arg4[%add3A_12, %dma_wait3A_25] : memref<4096x1024xf32, #tpu.memory_space<hbm>> -> memref<64x1024xf32, #tpu.memory_space<hbm>>
      tpu.wait_dma2 semaphore(%run_scoped3A : memref<!tpu.dma_semaphore, #tpu.memory_space<semaphore_mem>>) src(%arg6 : memref<64x1024xf32, #tpu.memory_space<vmem>>) dst(%dma_wait3A_26 : memref<64x1024xf32, #tpu.memory_space<hbm>>)
      tpu.yield
    }) : () -> ()
    return
  }
}

#map = affine_map<(d0, d1) -> (0, 0)>
#map1 = affine_map<(d0, d1) -> (0)>
module attributes {stable_mosaic.version = 14 : i64} {
  func.func @k(%arg0: i32, %arg1: i32, %arg2: memref<2048x1024xf32, #tpu.memory_space<hbm>>, %arg3: memref<2048xi32, #tpu.memory_space<hbm>>, %arg4: memref<2048xi32, #tpu.memory_space<hbm>>, %arg5: memref<6144x1024xf32, #tpu.memory_space<hbm>>, %arg6: memref<64xi32, #tpu.memory_space<vmem>>, %arg7: memref<64xi32, #tpu.memory_space<vmem>>, %arg8: memref<64x1024xf32, #tpu.memory_space<vmem>>, %arg9: memref<!tpu.dma_semaphore, #tpu.memory_space<semaphore_mem>>, %arg10: memref<!tpu.dma_semaphore, #tpu.memory_space<semaphore_mem>>, %arg11: memref<!tpu.dma_semaphore, #tpu.memory_space<semaphore_mem>>) attributes {dimension_semantics = [#tpu.dimension_semantics<core_parallel>, #tpu.dimension_semantics<subcore_parallel>], iteration_bounds = array<i64: 2, 16>, scalar_prefetch = 0 : i64, scratch_operands = 6 : i64, tpu.core_type = #tpu.core_type<sc_vector_subcore>, window_params = [{transform_indices = #map}, {transform_indices = #map1}, {transform_indices = #map1}, {transform_indices = #map}]} {
    %mul3A = arith.constant 2 : i32
    %mul3A_0 = arith.muli %arg1, %mul3A : i32
    %add3A = arith.addi %mul3A_0, %arg0 : i32
    %mul3A_1 = arith.constant 64 : i32
    %mul3A_2 = arith.muli %add3A, %mul3A_1 : i32
    %dma_start3A = arith.constant 0 : i32
    %dma_start3A_3 = tpu.memref_slice %arg2[%mul3A_2, %dma_start3A] : memref<2048x1024xf32, #tpu.memory_space<hbm>> -> memref<64x1024xf32, #tpu.memory_space<hbm>>
    %dma_start3A_4 = arith.constant 0 : i32
    %dma_start3A_5 = tpu.memref_slice %arg2[%mul3A_2, %dma_start3A_4] : memref<2048x1024xf32, #tpu.memory_space<hbm>> -> memref<64x1024xf32, #tpu.memory_space<hbm>>
    tpu.enqueue_dma source(%dma_start3A_5 : memref<64x1024xf32, #tpu.memory_space<hbm>>) target(%arg8 : memref<64x1024xf32, #tpu.memory_space<vmem>>) target_semaphore(%arg9 : memref<!tpu.dma_semaphore, #tpu.memory_space<semaphore_mem>>)
    %dma_start3A_6 = tpu.memref_slice %arg3[%mul3A_2] : memref<2048xi32, #tpu.memory_space<hbm>> -> memref<64xi32, #tpu.memory_space<hbm>>
    %dma_start3A_7 = tpu.memref_slice %arg3[%mul3A_2] : memref<2048xi32, #tpu.memory_space<hbm>> -> memref<64xi32, #tpu.memory_space<hbm>>
    tpu.enqueue_dma source(%dma_start3A_7 : memref<64xi32, #tpu.memory_space<hbm>>) target(%arg6 : memref<64xi32, #tpu.memory_space<vmem>>) target_semaphore(%arg10 : memref<!tpu.dma_semaphore, #tpu.memory_space<semaphore_mem>>)
    %dma_start3A_8 = tpu.memref_slice %arg4[%mul3A_2] : memref<2048xi32, #tpu.memory_space<hbm>> -> memref<64xi32, #tpu.memory_space<hbm>>
    %dma_start3A_9 = tpu.memref_slice %arg4[%mul3A_2] : memref<2048xi32, #tpu.memory_space<hbm>> -> memref<64xi32, #tpu.memory_space<hbm>>
    tpu.enqueue_dma source(%dma_start3A_9 : memref<64xi32, #tpu.memory_space<hbm>>) target(%arg7 : memref<64xi32, #tpu.memory_space<vmem>>) target_semaphore(%arg11 : memref<!tpu.dma_semaphore, #tpu.memory_space<semaphore_mem>>)
    %dma_wait3A = arith.constant 0 : i32
    %dma_wait3A_10 = tpu.memref_slice %arg2[%mul3A_2, %dma_wait3A] : memref<2048x1024xf32, #tpu.memory_space<hbm>> -> memref<64x1024xf32, #tpu.memory_space<hbm>>
    %dma_wait3A_11 = arith.constant 0 : i32
    %dma_wait3A_12 = tpu.memref_slice %arg2[%mul3A_2, %dma_wait3A_11] : memref<2048x1024xf32, #tpu.memory_space<hbm>> -> memref<64x1024xf32, #tpu.memory_space<hbm>>
    tpu.wait_dma2 semaphore(%arg9 : memref<!tpu.dma_semaphore, #tpu.memory_space<semaphore_mem>>) src(%dma_wait3A_12 : memref<64x1024xf32, #tpu.memory_space<hbm>>) dst(%arg8 : memref<64x1024xf32, #tpu.memory_space<vmem>>)
    %dma_wait3A_13 = tpu.memref_slice %arg3[%mul3A_2] : memref<2048xi32, #tpu.memory_space<hbm>> -> memref<64xi32, #tpu.memory_space<hbm>>
    %dma_wait3A_14 = tpu.memref_slice %arg3[%mul3A_2] : memref<2048xi32, #tpu.memory_space<hbm>> -> memref<64xi32, #tpu.memory_space<hbm>>
    tpu.wait_dma2 semaphore(%arg10 : memref<!tpu.dma_semaphore, #tpu.memory_space<semaphore_mem>>) src(%dma_wait3A_14 : memref<64xi32, #tpu.memory_space<hbm>>) dst(%arg6 : memref<64xi32, #tpu.memory_space<vmem>>)
    %dma_wait3A_15 = tpu.memref_slice %arg4[%mul3A_2] : memref<2048xi32, #tpu.memory_space<hbm>> -> memref<64xi32, #tpu.memory_space<hbm>>
    %dma_wait3A_16 = tpu.memref_slice %arg4[%mul3A_2] : memref<2048xi32, #tpu.memory_space<hbm>> -> memref<64xi32, #tpu.memory_space<hbm>>
    tpu.wait_dma2 semaphore(%arg11 : memref<!tpu.dma_semaphore, #tpu.memory_space<semaphore_mem>>) src(%dma_wait3A_16 : memref<64xi32, #tpu.memory_space<hbm>>) dst(%arg7 : memref<64xi32, #tpu.memory_space<vmem>>)
    %dma_start3A_17 = arith.constant 0 : i32
    %dma_start3A_18 = arith.constant 0 : i32
    %dma_start3A_19 = tpu.memref_slice %arg5[%dma_start3A_17, %dma_start3A_18] : memref<6144x1024xf32, #tpu.memory_space<hbm>> -> memref<6144x1024xf32, #tpu.memory_space<hbm>>
    tpu.enqueue_indirect_dma source(%arg8 : memref<64x1024xf32, #tpu.memory_space<vmem>>) target(%dma_start3A_19 : memref<6144x1024xf32, #tpu.memory_space<hbm>>) offsets(%arg6 : memref<64xi32, #tpu.memory_space<vmem>>) semaphore(%arg10 : memref<!tpu.dma_semaphore, #tpu.memory_space<semaphore_mem>>)
    %dma_start3A_20 = arith.constant 0 : i32
    %dma_start3A_21 = arith.constant 0 : i32
    %dma_start3A_22 = tpu.memref_slice %arg5[%dma_start3A_20, %dma_start3A_21] : memref<6144x1024xf32, #tpu.memory_space<hbm>> -> memref<6144x1024xf32, #tpu.memory_space<hbm>>
    tpu.enqueue_indirect_dma source(%arg8 : memref<64x1024xf32, #tpu.memory_space<vmem>>) target(%dma_start3A_22 : memref<6144x1024xf32, #tpu.memory_space<hbm>>) offsets(%arg7 : memref<64xi32, #tpu.memory_space<vmem>>) semaphore(%arg11 : memref<!tpu.dma_semaphore, #tpu.memory_space<semaphore_mem>>)
    %dma_wait3A_23 = arith.constant 0 : i32
    %dma_wait3A_24 = arith.constant 0 : i32
    %dma_wait3A_25 = tpu.memref_slice %arg5[%dma_wait3A_23, %dma_wait3A_24] : memref<6144x1024xf32, #tpu.memory_space<hbm>> -> memref<6144x1024xf32, #tpu.memory_space<hbm>>
    tpu.wait_indirect_dma semaphore(%arg10 : memref<!tpu.dma_semaphore, #tpu.memory_space<semaphore_mem>>) src(%arg8 : memref<64x1024xf32, #tpu.memory_space<vmem>>) dst(%dma_wait3A_25 : memref<6144x1024xf32, #tpu.memory_space<hbm>>)
    %dma_wait3A_26 = arith.constant 0 : i32
    %dma_wait3A_27 = arith.constant 0 : i32
    %dma_wait3A_28 = tpu.memref_slice %arg5[%dma_wait3A_26, %dma_wait3A_27] : memref<6144x1024xf32, #tpu.memory_space<hbm>> -> memref<6144x1024xf32, #tpu.memory_space<hbm>>
    tpu.wait_indirect_dma semaphore(%arg11 : memref<!tpu.dma_semaphore, #tpu.memory_space<semaphore_mem>>) src(%arg8 : memref<64x1024xf32, #tpu.memory_space<vmem>>) dst(%dma_wait3A_28 : memref<6144x1024xf32, #tpu.memory_space<hbm>>)
    return
  }
}

module attributes {stable_mosaic.version = 14 : i64} {
  func.func @_finalize_body(%arg0: i32, %arg1: memref<4x1x8xi32, #tpu.memory_space<vmem>>, %arg2: memref<512x2xi32, #tpu.memory_space<vmem>>, %arg3: memref<512x2xi32, #tpu.memory_space<vmem>>, %arg4: memref<512x2xi32, #tpu.memory_space<vmem>>, %arg5: memref<1x512xi32, #tpu.memory_space<vmem>>, %arg6: memref<1x512xi32, #tpu.memory_space<vmem>>, %arg7: memref<1x64xi32, #tpu.memory_space<vmem>>, %arg8: memref<1x64xi32, #tpu.memory_space<vmem>>) attributes {dimension_semantics = [#tpu.dimension_semantics<arbitrary>], iteration_bounds = array<i64: 4>, scalar_prefetch = 0 : i64, scratch_operands = 0 : i64, tpu.core_type = #tpu.core_type<tc>, window_params = [{pipeline_mode = #tpu.pipeline_mode<synchronous>, transform_indices = @transform_0, window_bounds = array<i64: 4, 1, 8>}, {transform_indices = @transform_1, window_bounds = array<i64: 512, 2>}, {transform_indices = @transform_2, window_bounds = array<i64: 512, 2>}, {transform_indices = @transform_3, window_bounds = array<i64: 512, 2>}, {transform_indices = @transform_4, window_bounds = array<i64: 1, 512>}, {transform_indices = @transform_5, window_bounds = array<i64: 1, 512>}, {pipeline_mode = #tpu.pipeline_mode<synchronous>, transform_indices = @transform_6, window_bounds = array<i64: 1, 64>}, {pipeline_mode = #tpu.pipeline_mode<synchronous>, transform_indices = @transform_7, window_bounds = array<i64: 1, 64>}]} {
    %get3A = arith.constant 0 : index
    %get3A_0 = arith.constant 0 : index
    %get3A_1 = arith.constant 0 : index
    %get3A_2 = vector.load %arg1[%get3A, %get3A_0, %get3A_1] : memref<4x1x8xi32, #tpu.memory_space<vmem>>, vector<4x1x8xi32>
    %reduce_sum3A = arith.constant dense<0> : vector<8xi32>
    %reduce_sum3A_3 = vector.multi_reduction <add>, %get3A_2, %reduce_sum3A [0, 1] : vector<4x1x8xi32> to vector<8xi32>
    %broadcast_in_dim3A = vector.shape_cast %reduce_sum3A_3 : vector<8xi32> to vector<1x8xi32>
    %iota3A = tpu.iota {dimensions = array<i32: 1>} : vector<1x8xi32>
    %broadcast_in_dim3A_4 = arith.constant 0 : i32
    %broadcast_in_dim3A_5 = vector.broadcast %broadcast_in_dim3A_4 : i32 to vector<1x8xi32>
    %eq3A = arith.constant 0 : i32
    %eq3A_6 = vector.broadcast %eq3A : i32 to vector<1x8xi32>
    %eq3A_7 = arith.cmpi eq, %iota3A, %eq3A_6 : vector<1x8xi32>
    %jit3A = arith.constant 0 : i32
    %broadcast_in_dim3A_8 = vector.broadcast %jit3A : i32 to vector<1x8xi32>
    %select_n3A = arith.select %eq3A_7, %broadcast_in_dim3A, %broadcast_in_dim3A_8 : vector<1x8xi1>, vector<1x8xi32>
    %reduce_sum3A_9 = vector.shape_cast %select_n3A : vector<1x8xi32> to vector<1x1x8xi32>
    %reduce_sum3A_10 = arith.constant dense<0> : vector<1xi32>
    %reduce_sum3A_11 = vector.multi_reduction <add>, %reduce_sum3A_9, %reduce_sum3A_10 [1, 2] : vector<1x1x8xi32> to vector<1xi32>
    %reduce_sum3A_12 = vector.shape_cast %reduce_sum3A_11 : vector<1xi32> to vector<1x1x1xi32>
    %reduce_sum3A_13 = vector.extract %reduce_sum3A_12[0, 0, 0] : i32 from vector<1x1x1xi32>
    %add3A = arith.constant 255 : i32
    %add3A_14 = arith.addi %reduce_sum3A_13, %add3A : i32
    %shift_right_arithmetic3A = arith.constant 8 : i32
    %shift_right_arithmetic3A_15 = arith.shrsi %add3A_14, %shift_right_arithmetic3A : i32
    %eq3A_16 = arith.constant 0 : i32
    %eq3A_17 = vector.broadcast %eq3A_16 : i32 to vector<1x8xi32>
    %eq3A_18 = arith.cmpi eq, %iota3A, %eq3A_17 : vector<1x8xi32>
    %mul3A = arith.constant 0 : i32
    %mul3A_19 = arith.constant 256 : i32
    %mul3A_20 = arith.muli %mul3A, %mul3A_19 : i32
    %jit3A_21 = arith.constant 0 : i32
    %broadcast_in_dim3A_22 = vector.broadcast %mul3A_20 : i32 to vector<1x8xi32>
    %broadcast_in_dim3A_23 = vector.broadcast %jit3A_21 : i32 to vector<1x8xi32>
    %select_n3A_24 = arith.select %eq3A_18, %broadcast_in_dim3A_22, %broadcast_in_dim3A_23 : vector<1x8xi1>, vector<1x8xi32>
    %add3A_25 = arith.addi %broadcast_in_dim3A_5, %select_n3A_24 : vector<1x8xi32>
    %add3A_26 = arith.constant 0 : i32
    %add3A_27 = arith.addi %add3A_26, %shift_right_arithmetic3A_15 : i32
    %eq3A_28 = arith.constant 1 : i32
    %eq3A_29 = vector.broadcast %eq3A_28 : i32 to vector<1x8xi32>
    %eq3A_30 = arith.cmpi eq, %iota3A, %eq3A_29 : vector<1x8xi32>
    %jit3A_31 = arith.constant 0 : i32
    %broadcast_in_dim3A_32 = vector.broadcast %jit3A_31 : i32 to vector<1x8xi32>
    %select_n3A_33 = arith.select %eq3A_30, %broadcast_in_dim3A, %broadcast_in_dim3A_32 : vector<1x8xi1>, vector<1x8xi32>
    %reduce_sum3A_34 = vector.shape_cast %select_n3A_33 : vector<1x8xi32> to vector<1x1x8xi32>
    %reduce_sum3A_35 = arith.constant dense<0> : vector<1xi32>
    %reduce_sum3A_36 = vector.multi_reduction <add>, %reduce_sum3A_34, %reduce_sum3A_35 [1, 2] : vector<1x1x8xi32> to vector<1xi32>
    %reduce_sum3A_37 = vector.shape_cast %reduce_sum3A_36 : vector<1xi32> to vector<1x1x1xi32>
    %reduce_sum3A_38 = vector.extract %reduce_sum3A_37[0, 0, 0] : i32 from vector<1x1x1xi32>
    %add3A_39 = arith.constant 255 : i32
    %add3A_40 = arith.addi %reduce_sum3A_38, %add3A_39 : i32
    %shift_right_arithmetic3A_41 = arith.constant 8 : i32
    %shift_right_arithmetic3A_42 = arith.shrsi %add3A_40, %shift_right_arithmetic3A_41 : i32
    %eq3A_43 = arith.constant 1 : i32
    %eq3A_44 = vector.broadcast %eq3A_43 : i32 to vector<1x8xi32>
    %eq3A_45 = arith.cmpi eq, %iota3A, %eq3A_44 : vector<1x8xi32>
    %mul3A_46 = arith.constant 256 : i32
    %mul3A_47 = arith.muli %add3A_27, %mul3A_46 : i32
    %jit3A_48 = arith.constant 0 : i32
    %broadcast_in_dim3A_49 = vector.broadcast %mul3A_47 : i32 to vector<1x8xi32>
    %broadcast_in_dim3A_50 = vector.broadcast %jit3A_48 : i32 to vector<1x8xi32>
    %select_n3A_51 = arith.select %eq3A_45, %broadcast_in_dim3A_49, %broadcast_in_dim3A_50 : vector<1x8xi1>, vector<1x8xi32>
    %add3A_52 = arith.addi %add3A_25, %select_n3A_51 : vector<1x8xi32>
    %add3A_53 = arith.addi %add3A_27, %shift_right_arithmetic3A_42 : i32
    %eq3A_54 = arith.constant 2 : i32
    %eq3A_55 = vector.broadcast %eq3A_54 : i32 to vector<1x8xi32>
    %eq3A_56 = arith.cmpi eq, %iota3A, %eq3A_55 : vector<1x8xi32>
    %jit3A_57 = arith.constant 0 : i32
    %broadcast_in_dim3A_58 = vector.broadcast %jit3A_57 : i32 to vector<1x8xi32>
    %select_n3A_59 = arith.select %eq3A_56, %broadcast_in_dim3A, %broadcast_in_dim3A_58 : vector<1x8xi1>, vector<1x8xi32>
    %reduce_sum3A_60 = vector.shape_cast %select_n3A_59 : vector<1x8xi32> to vector<1x1x8xi32>
    %reduce_sum3A_61 = arith.constant dense<0> : vector<1xi32>
    %reduce_sum3A_62 = vector.multi_reduction <add>, %reduce_sum3A_60, %reduce_sum3A_61 [1, 2] : vector<1x1x8xi32> to vector<1xi32>
    %reduce_sum3A_63 = vector.shape_cast %reduce_sum3A_62 : vector<1xi32> to vector<1x1x1xi32>
    %reduce_sum3A_64 = vector.extract %reduce_sum3A_63[0, 0, 0] : i32 from vector<1x1x1xi32>
    %add3A_65 = arith.constant 255 : i32
    %add3A_66 = arith.addi %reduce_sum3A_64, %add3A_65 : i32
    %shift_right_arithmetic3A_67 = arith.constant 8 : i32
    %shift_right_arithmetic3A_68 = arith.shrsi %add3A_66, %shift_right_arithmetic3A_67 : i32
    %eq3A_69 = arith.constant 2 : i32
    %eq3A_70 = vector.broadcast %eq3A_69 : i32 to vector<1x8xi32>
    %eq3A_71 = arith.cmpi eq, %iota3A, %eq3A_70 : vector<1x8xi32>
    %mul3A_72 = arith.constant 256 : i32
    %mul3A_73 = arith.muli %add3A_53, %mul3A_72 : i32
    %jit3A_74 = arith.constant 0 : i32
    %broadcast_in_dim3A_75 = vector.broadcast %mul3A_73 : i32 to vector<1x8xi32>
    %broadcast_in_dim3A_76 = vector.broadcast %jit3A_74 : i32 to vector<1x8xi32>
    %select_n3A_77 = arith.select %eq3A_71, %broadcast_in_dim3A_75, %broadcast_in_dim3A_76 : vector<1x8xi1>, vector<1x8xi32>
    %add3A_78 = arith.addi %add3A_52, %select_n3A_77 : vector<1x8xi32>
    %add3A_79 = arith.addi %add3A_53, %shift_right_arithmetic3A_68 : i32
    %eq3A_80 = arith.constant 3 : i32
    %eq3A_81 = vector.broadcast %eq3A_80 : i32 to vector<1x8xi32>
    %eq3A_82 = arith.cmpi eq, %iota3A, %eq3A_81 : vector<1x8xi32>
    %jit3A_83 = arith.constant 0 : i32
    %broadcast_in_dim3A_84 = vector.broadcast %jit3A_83 : i32 to vector<1x8xi32>
    %select_n3A_85 = arith.select %eq3A_82, %broadcast_in_dim3A, %broadcast_in_dim3A_84 : vector<1x8xi1>, vector<1x8xi32>
    %reduce_sum3A_86 = vector.shape_cast %select_n3A_85 : vector<1x8xi32> to vector<1x1x8xi32>
    %reduce_sum3A_87 = arith.constant dense<0> : vector<1xi32>
    %reduce_sum3A_88 = vector.multi_reduction <add>, %reduce_sum3A_86, %reduce_sum3A_87 [1, 2] : vector<1x1x8xi32> to vector<1xi32>
    %reduce_sum3A_89 = vector.shape_cast %reduce_sum3A_88 : vector<1xi32> to vector<1x1x1xi32>
    %reduce_sum3A_90 = vector.extract %reduce_sum3A_89[0, 0, 0] : i32 from vector<1x1x1xi32>
    %add3A_91 = arith.constant 255 : i32
    %add3A_92 = arith.addi %reduce_sum3A_90, %add3A_91 : i32
    %shift_right_arithmetic3A_93 = arith.constant 8 : i32
    %shift_right_arithmetic3A_94 = arith.shrsi %add3A_92, %shift_right_arithmetic3A_93 : i32
    %eq3A_95 = arith.constant 3 : i32
    %eq3A_96 = vector.broadcast %eq3A_95 : i32 to vector<1x8xi32>
    %eq3A_97 = arith.cmpi eq, %iota3A, %eq3A_96 : vector<1x8xi32>
    %mul3A_98 = arith.constant 256 : i32
    %mul3A_99 = arith.muli %add3A_79, %mul3A_98 : i32
    %jit3A_100 = arith.constant 0 : i32
    %broadcast_in_dim3A_101 = vector.broadcast %mul3A_99 : i32 to vector<1x8xi32>
    %broadcast_in_dim3A_102 = vector.broadcast %jit3A_100 : i32 to vector<1x8xi32>
    %select_n3A_103 = arith.select %eq3A_97, %broadcast_in_dim3A_101, %broadcast_in_dim3A_102 : vector<1x8xi1>, vector<1x8xi32>
    %add3A_104 = arith.addi %add3A_78, %select_n3A_103 : vector<1x8xi32>
    %add3A_105 = arith.addi %add3A_79, %shift_right_arithmetic3A_94 : i32
    %eq3A_106 = arith.constant 4 : i32
    %eq3A_107 = vector.broadcast %eq3A_106 : i32 to vector<1x8xi32>
    %eq3A_108 = arith.cmpi eq, %iota3A, %eq3A_107 : vector<1x8xi32>
    %jit3A_109 = arith.constant 0 : i32
    %broadcast_in_dim3A_110 = vector.broadcast %jit3A_109 : i32 to vector<1x8xi32>
    %select_n3A_111 = arith.select %eq3A_108, %broadcast_in_dim3A, %broadcast_in_dim3A_110 : vector<1x8xi1>, vector<1x8xi32>
    %reduce_sum3A_112 = vector.shape_cast %select_n3A_111 : vector<1x8xi32> to vector<1x1x8xi32>
    %reduce_sum3A_113 = arith.constant dense<0> : vector<1xi32>
    %reduce_sum3A_114 = vector.multi_reduction <add>, %reduce_sum3A_112, %reduce_sum3A_113 [1, 2] : vector<1x1x8xi32> to vector<1xi32>
    %reduce_sum3A_115 = vector.shape_cast %reduce_sum3A_114 : vector<1xi32> to vector<1x1x1xi32>
    %reduce_sum3A_116 = vector.extract %reduce_sum3A_115[0, 0, 0] : i32 from vector<1x1x1xi32>
    %add3A_117 = arith.constant 255 : i32
    %add3A_118 = arith.addi %reduce_sum3A_116, %add3A_117 : i32
    %shift_right_arithmetic3A_119 = arith.constant 8 : i32
    %shift_right_arithmetic3A_120 = arith.shrsi %add3A_118, %shift_right_arithmetic3A_119 : i32
    %eq3A_121 = arith.constant 4 : i32
    %eq3A_122 = vector.broadcast %eq3A_121 : i32 to vector<1x8xi32>
    %eq3A_123 = arith.cmpi eq, %iota3A, %eq3A_122 : vector<1x8xi32>
    %mul3A_124 = arith.constant 256 : i32
    %mul3A_125 = arith.muli %add3A_105, %mul3A_124 : i32
    %jit3A_126 = arith.constant 0 : i32
    %broadcast_in_dim3A_127 = vector.broadcast %mul3A_125 : i32 to vector<1x8xi32>
    %broadcast_in_dim3A_128 = vector.broadcast %jit3A_126 : i32 to vector<1x8xi32>
    %select_n3A_129 = arith.select %eq3A_123, %broadcast_in_dim3A_127, %broadcast_in_dim3A_128 : vector<1x8xi1>, vector<1x8xi32>
    %add3A_130 = arith.addi %add3A_104, %select_n3A_129 : vector<1x8xi32>
    %add3A_131 = arith.addi %add3A_105, %shift_right_arithmetic3A_120 : i32
    %eq3A_132 = arith.constant 5 : i32
    %eq3A_133 = vector.broadcast %eq3A_132 : i32 to vector<1x8xi32>
    %eq3A_134 = arith.cmpi eq, %iota3A, %eq3A_133 : vector<1x8xi32>
    %jit3A_135 = arith.constant 0 : i32
    %broadcast_in_dim3A_136 = vector.broadcast %jit3A_135 : i32 to vector<1x8xi32>
    %select_n3A_137 = arith.select %eq3A_134, %broadcast_in_dim3A, %broadcast_in_dim3A_136 : vector<1x8xi1>, vector<1x8xi32>
    %reduce_sum3A_138 = vector.shape_cast %select_n3A_137 : vector<1x8xi32> to vector<1x1x8xi32>
    %reduce_sum3A_139 = arith.constant dense<0> : vector<1xi32>
    %reduce_sum3A_140 = vector.multi_reduction <add>, %reduce_sum3A_138, %reduce_sum3A_139 [1, 2] : vector<1x1x8xi32> to vector<1xi32>
    %reduce_sum3A_141 = vector.shape_cast %reduce_sum3A_140 : vector<1xi32> to vector<1x1x1xi32>
    %reduce_sum3A_142 = vector.extract %reduce_sum3A_141[0, 0, 0] : i32 from vector<1x1x1xi32>
    %add3A_143 = arith.constant 255 : i32
    %add3A_144 = arith.addi %reduce_sum3A_142, %add3A_143 : i32
    %shift_right_arithmetic3A_145 = arith.constant 8 : i32
    %shift_right_arithmetic3A_146 = arith.shrsi %add3A_144, %shift_right_arithmetic3A_145 : i32
    %eq3A_147 = arith.constant 5 : i32
    %eq3A_148 = vector.broadcast %eq3A_147 : i32 to vector<1x8xi32>
    %eq3A_149 = arith.cmpi eq, %iota3A, %eq3A_148 : vector<1x8xi32>
    %mul3A_150 = arith.constant 256 : i32
    %mul3A_151 = arith.muli %add3A_131, %mul3A_150 : i32
    %jit3A_152 = arith.constant 0 : i32
    %broadcast_in_dim3A_153 = vector.broadcast %mul3A_151 : i32 to vector<1x8xi32>
    %broadcast_in_dim3A_154 = vector.broadcast %jit3A_152 : i32 to vector<1x8xi32>
    %select_n3A_155 = arith.select %eq3A_149, %broadcast_in_dim3A_153, %broadcast_in_dim3A_154 : vector<1x8xi1>, vector<1x8xi32>
    %add3A_156 = arith.addi %add3A_130, %select_n3A_155 : vector<1x8xi32>
    %add3A_157 = arith.addi %add3A_131, %shift_right_arithmetic3A_146 : i32
    %eq3A_158 = arith.constant 6 : i32
    %eq3A_159 = vector.broadcast %eq3A_158 : i32 to vector<1x8xi32>
    %eq3A_160 = arith.cmpi eq, %iota3A, %eq3A_159 : vector<1x8xi32>
    %jit3A_161 = arith.constant 0 : i32
    %broadcast_in_dim3A_162 = vector.broadcast %jit3A_161 : i32 to vector<1x8xi32>
    %select_n3A_163 = arith.select %eq3A_160, %broadcast_in_dim3A, %broadcast_in_dim3A_162 : vector<1x8xi1>, vector<1x8xi32>
    %reduce_sum3A_164 = vector.shape_cast %select_n3A_163 : vector<1x8xi32> to vector<1x1x8xi32>
    %reduce_sum3A_165 = arith.constant dense<0> : vector<1xi32>
    %reduce_sum3A_166 = vector.multi_reduction <add>, %reduce_sum3A_164, %reduce_sum3A_165 [1, 2] : vector<1x1x8xi32> to vector<1xi32>
    %reduce_sum3A_167 = vector.shape_cast %reduce_sum3A_166 : vector<1xi32> to vector<1x1x1xi32>
    %reduce_sum3A_168 = vector.extract %reduce_sum3A_167[0, 0, 0] : i32 from vector<1x1x1xi32>
    %add3A_169 = arith.constant 255 : i32
    %add3A_170 = arith.addi %reduce_sum3A_168, %add3A_169 : i32
    %shift_right_arithmetic3A_171 = arith.constant 8 : i32
    %shift_right_arithmetic3A_172 = arith.shrsi %add3A_170, %shift_right_arithmetic3A_171 : i32
    %eq3A_173 = arith.constant 6 : i32
    %eq3A_174 = vector.broadcast %eq3A_173 : i32 to vector<1x8xi32>
    %eq3A_175 = arith.cmpi eq, %iota3A, %eq3A_174 : vector<1x8xi32>
    %mul3A_176 = arith.constant 256 : i32
    %mul3A_177 = arith.muli %add3A_157, %mul3A_176 : i32
    %jit3A_178 = arith.constant 0 : i32
    %broadcast_in_dim3A_179 = vector.broadcast %mul3A_177 : i32 to vector<1x8xi32>
    %broadcast_in_dim3A_180 = vector.broadcast %jit3A_178 : i32 to vector<1x8xi32>
    %select_n3A_181 = arith.select %eq3A_175, %broadcast_in_dim3A_179, %broadcast_in_dim3A_180 : vector<1x8xi1>, vector<1x8xi32>
    %add3A_182 = arith.addi %add3A_156, %select_n3A_181 : vector<1x8xi32>
    %add3A_183 = arith.addi %add3A_157, %shift_right_arithmetic3A_172 : i32
    %eq3A_184 = arith.constant 7 : i32
    %eq3A_185 = vector.broadcast %eq3A_184 : i32 to vector<1x8xi32>
    %eq3A_186 = arith.cmpi eq, %iota3A, %eq3A_185 : vector<1x8xi32>
    %jit3A_187 = arith.constant 0 : i32
    %broadcast_in_dim3A_188 = vector.broadcast %jit3A_187 : i32 to vector<1x8xi32>
    %select_n3A_189 = arith.select %eq3A_186, %broadcast_in_dim3A, %broadcast_in_dim3A_188 : vector<1x8xi1>, vector<1x8xi32>
    %reduce_sum3A_190 = vector.shape_cast %select_n3A_189 : vector<1x8xi32> to vector<1x1x8xi32>
    %reduce_sum3A_191 = arith.constant dense<0> : vector<1xi32>
    %reduce_sum3A_192 = vector.multi_reduction <add>, %reduce_sum3A_190, %reduce_sum3A_191 [1, 2] : vector<1x1x8xi32> to vector<1xi32>
    %reduce_sum3A_193 = vector.shape_cast %reduce_sum3A_192 : vector<1xi32> to vector<1x1x1xi32>
    %reduce_sum3A_194 = vector.extract %reduce_sum3A_193[0, 0, 0] : i32 from vector<1x1x1xi32>
    %add3A_195 = arith.constant 255 : i32
    %add3A_196 = arith.addi %reduce_sum3A_194, %add3A_195 : i32
    %shift_right_arithmetic3A_197 = arith.constant 8 : i32
    %shift_right_arithmetic3A_198 = arith.shrsi %add3A_196, %shift_right_arithmetic3A_197 : i32
    %eq3A_199 = arith.constant 7 : i32
    %eq3A_200 = vector.broadcast %eq3A_199 : i32 to vector<1x8xi32>
    %eq3A_201 = arith.cmpi eq, %iota3A, %eq3A_200 : vector<1x8xi32>
    %mul3A_202 = arith.constant 256 : i32
    %mul3A_203 = arith.muli %add3A_183, %mul3A_202 : i32
    %jit3A_204 = arith.constant 0 : i32
    %broadcast_in_dim3A_205 = vector.broadcast %mul3A_203 : i32 to vector<1x8xi32>
    %broadcast_in_dim3A_206 = vector.broadcast %jit3A_204 : i32 to vector<1x8xi32>
    %select_n3A_207 = arith.select %eq3A_201, %broadcast_in_dim3A_205, %broadcast_in_dim3A_206 : vector<1x8xi1>, vector<1x8xi32>
    %add3A_208 = arith.addi %add3A_182, %select_n3A_207 : vector<1x8xi32>
    %add3A_209 = arith.addi %add3A_183, %shift_right_arithmetic3A_198 : i32
    %iota3A_210 = tpu.iota {dimensions = array<i32: 1>} : vector<1x64xi32>
    %broadcast_in_dim3A_211 = arith.constant 0 : i32
    %broadcast_in_dim3A_212 = vector.broadcast %broadcast_in_dim3A_211 : i32 to vector<1x64xi32>
    %ge3A = vector.broadcast %add3A_27 : i32 to vector<1x64xi32>
    %ge3A_213 = arith.cmpi sge, %iota3A_210, %ge3A : vector<1x64xi32>
    %convert_element_type3A = arith.extui %ge3A_213 : vector<1x64xi1> to vector<1x64xi32>
    %add3A_214 = arith.addi %broadcast_in_dim3A_212, %convert_element_type3A : vector<1x64xi32>
    %sub3A = arith.constant 0 : i32
    %sub3A_215 = arith.subi %add3A_27, %sub3A : i32
    %gt3A = arith.constant 0 : i32
    %gt3A_216 = arith.cmpi sgt, %sub3A_215, %gt3A : i32
    %jit3A_217 = arith.constant 0 : i32
    %jit3A_218 = arith.constant 0 : i32
    %select_n3A_219 = arith.select %gt3A_216, %jit3A_217, %jit3A_218 : i32
    %ge3A_220 = vector.broadcast %add3A_53 : i32 to vector<1x64xi32>
    %ge3A_221 = arith.cmpi sge, %iota3A_210, %ge3A_220 : vector<1x64xi32>
    %convert_element_type3A_222 = arith.extui %ge3A_221 : vector<1x64xi1> to vector<1x64xi32>
    %add3A_223 = arith.addi %add3A_214, %convert_element_type3A_222 : vector<1x64xi32>
    %sub3A_224 = arith.subi %add3A_53, %add3A_27 : i32
    %gt3A_225 = arith.constant 0 : i32
    %gt3A_226 = arith.cmpi sgt, %sub3A_224, %gt3A_225 : i32
    %jit3A_227 = arith.constant 1 : i32
    %select_n3A_228 = arith.select %gt3A_226, %jit3A_227, %select_n3A_219 : i32
    %ge3A_229 = vector.broadcast %add3A_79 : i32 to vector<1x64xi32>
    %ge3A_230 = arith.cmpi sge, %iota3A_210, %ge3A_229 : vector<1x64xi32>
    %convert_element_type3A_231 = arith.extui %ge3A_230 : vector<1x64xi1> to vector<1x64xi32>
    %add3A_232 = arith.addi %add3A_223, %convert_element_type3A_231 : vector<1x64xi32>
    %sub3A_233 = arith.subi %add3A_79, %add3A_53 : i32
    %gt3A_234 = arith.constant 0 : i32
    %gt3A_235 = arith.cmpi sgt, %sub3A_233, %gt3A_234 : i32
    %jit3A_236 = arith.constant 2 : i32
    %select_n3A_237 = arith.select %gt3A_235, %jit3A_236, %select_n3A_228 : i32
    %ge3A_238 = vector.broadcast %add3A_105 : i32 to vector<1x64xi32>
    %ge3A_239 = arith.cmpi sge, %iota3A_210, %ge3A_238 : vector<1x64xi32>
    %convert_element_type3A_240 = arith.extui %ge3A_239 : vector<1x64xi1> to vector<1x64xi32>
    %add3A_241 = arith.addi %add3A_232, %convert_element_type3A_240 : vector<1x64xi32>
    %sub3A_242 = arith.subi %add3A_105, %add3A_79 : i32
    %gt3A_243 = arith.constant 0 : i32
    %gt3A_244 = arith.cmpi sgt, %sub3A_242, %gt3A_243 : i32
    %jit3A_245 = arith.constant 3 : i32
    %select_n3A_246 = arith.select %gt3A_244, %jit3A_245, %select_n3A_237 : i32
    %ge3A_247 = vector.broadcast %add3A_131 : i32 to vector<1x64xi32>
    %ge3A_248 = arith.cmpi sge, %iota3A_210, %ge3A_247 : vector<1x64xi32>
    %convert_element_type3A_249 = arith.extui %ge3A_248 : vector<1x64xi1> to vector<1x64xi32>
    %add3A_250 = arith.addi %add3A_241, %convert_element_type3A_249 : vector<1x64xi32>
    %sub3A_251 = arith.subi %add3A_131, %add3A_105 : i32
    %gt3A_252 = arith.constant 0 : i32
    %gt3A_253 = arith.cmpi sgt, %sub3A_251, %gt3A_252 : i32
    %jit3A_254 = arith.constant 4 : i32
    %select_n3A_255 = arith.select %gt3A_253, %jit3A_254, %select_n3A_246 : i32
    %ge3A_256 = vector.broadcast %add3A_157 : i32 to vector<1x64xi32>
    %ge3A_257 = arith.cmpi sge, %iota3A_210, %ge3A_256 : vector<1x64xi32>
    %convert_element_type3A_258 = arith.extui %ge3A_257 : vector<1x64xi1> to vector<1x64xi32>
    %add3A_259 = arith.addi %add3A_250, %convert_element_type3A_258 : vector<1x64xi32>
    %sub3A_260 = arith.subi %add3A_157, %add3A_131 : i32
    %gt3A_261 = arith.constant 0 : i32
    %gt3A_262 = arith.cmpi sgt, %sub3A_260, %gt3A_261 : i32
    %jit3A_263 = arith.constant 5 : i32
    %select_n3A_264 = arith.select %gt3A_262, %jit3A_263, %select_n3A_255 : i32
    %ge3A_265 = vector.broadcast %add3A_183 : i32 to vector<1x64xi32>
    %ge3A_266 = arith.cmpi sge, %iota3A_210, %ge3A_265 : vector<1x64xi32>
    %convert_element_type3A_267 = arith.extui %ge3A_266 : vector<1x64xi1> to vector<1x64xi32>
    %add3A_268 = arith.addi %add3A_259, %convert_element_type3A_267 : vector<1x64xi32>
    %sub3A_269 = arith.subi %add3A_183, %add3A_157 : i32
    %gt3A_270 = arith.constant 0 : i32
    %gt3A_271 = arith.cmpi sgt, %sub3A_269, %gt3A_270 : i32
    %jit3A_272 = arith.constant 6 : i32
    %select_n3A_273 = arith.select %gt3A_271, %jit3A_272, %select_n3A_264 : i32
    %ge3A_274 = vector.broadcast %add3A_209 : i32 to vector<1x64xi32>
    %ge3A_275 = arith.cmpi sge, %iota3A_210, %ge3A_274 : vector<1x64xi32>
    %convert_element_type3A_276 = arith.extui %ge3A_275 : vector<1x64xi1> to vector<1x64xi32>
    %add3A_277 = arith.addi %add3A_268, %convert_element_type3A_276 : vector<1x64xi32>
    %sub3A_278 = arith.subi %add3A_209, %add3A_183 : i32
    %gt3A_279 = arith.constant 0 : i32
    %gt3A_280 = arith.cmpi sgt, %sub3A_278, %gt3A_279 : i32
    %jit3A_281 = arith.constant 7 : i32
    %select_n3A_282 = arith.select %gt3A_280, %jit3A_281, %select_n3A_273 : i32
    %lt3A = vector.broadcast %add3A_209 : i32 to vector<1x64xi32>
    %lt3A_283 = arith.cmpi slt, %iota3A_210, %lt3A : vector<1x64xi32>
    %min3A = arith.constant 7 : i32
    %min3A_284 = vector.broadcast %min3A : i32 to vector<1x64xi32>
    %min3A_285 = arith.minsi %add3A_277, %min3A_284 : vector<1x64xi32>
    %broadcast_in_dim3A_286 = vector.broadcast %select_n3A_282 : i32 to vector<1x64xi32>
    %select_n3A_287 = arith.select %lt3A_283, %min3A_285, %broadcast_in_dim3A_286 : vector<1x64xi1>, vector<1x64xi32>
    %swap3A = arith.constant 0 : index
    %swap3A_288 = arith.constant 0 : index
    %swap3A_289 = vector.load %arg7[%swap3A, %swap3A_288] : memref<1x64xi32, #tpu.memory_space<vmem>>, vector<1x64xi32>
    tpu.vector_store %arg7[%swap3A, %swap3A_288], %select_n3A_287 {strides = array<i32>} : memref<1x64xi32, #tpu.memory_space<vmem>>, vector<1x64xi32>,
    %convert_element_type3A_290 = arith.extui %lt3A_283 : vector<1x64xi1> to vector<1x64xi32>
    %swap3A_291 = arith.constant 0 : index
    %swap3A_292 = arith.constant 0 : index
    %swap3A_293 = vector.load %arg8[%swap3A_291, %swap3A_292] : memref<1x64xi32, #tpu.memory_space<vmem>>, vector<1x64xi32>
    tpu.vector_store %arg8[%swap3A_291, %swap3A_292], %convert_element_type3A_290 {strides = array<i32>} : memref<1x64xi32, #tpu.memory_space<vmem>>, vector<1x64xi32>,
    %iota3A_294 = tpu.iota {dimensions = array<i32: 0>} : vector<4x1x8xi32>
    %lt3A_295 = vector.broadcast %arg0 : i32 to vector<4x1x8xi32>
    %lt3A_296 = arith.cmpi slt, %iota3A_294, %lt3A_295 : vector<4x1x8xi32>
    %jit3A_297 = arith.constant 0 : i32
    %broadcast_in_dim3A_298 = vector.broadcast %jit3A_297 : i32 to vector<4x1x8xi32>
    %select_n3A_299 = arith.select %lt3A_296, %get3A_2, %broadcast_in_dim3A_298 : vector<4x1x8xi1>, vector<4x1x8xi32>
    %reduce_sum3A_300 = arith.constant dense<0> : vector<8xi32>
    %reduce_sum3A_301 = vector.multi_reduction <add>, %select_n3A_299, %reduce_sum3A_300 [0, 1] : vector<4x1x8xi32> to vector<8xi32>
    %broadcast_in_dim3A_302 = vector.shape_cast %reduce_sum3A_301 : vector<8xi32> to vector<1x8xi32>
    %add3A_303 = arith.addi %add3A_208, %broadcast_in_dim3A_302 : vector<1x8xi32>
    %get3A_304 = arith.constant 0 : index
    %get3A_305 = arith.constant 0 : index
    %get3A_306 = vector.load %arg2[%get3A_304, %get3A_305] : memref<512x2xi32, #tpu.memory_space<vmem>>, vector<512x2xi32>
    %get3A_307 = arith.constant 0 : index
    %get3A_308 = arith.constant 0 : index
    %get3A_309 = vector.load %arg3[%get3A_307, %get3A_308] : memref<512x2xi32, #tpu.memory_space<vmem>>, vector<512x2xi32>
    %iota3A_310 = tpu.iota {dimensions = array<i32: 1>} : vector<512x8xi32>
    %slice3A = vector.extract_strided_slice %get3A_306 {offsets = [0, 0], sizes = [512, 1], strides = [1, 1]} : vector<512x2xi32> to vector<512x1xi32>
    %eq3A_311 = vector.broadcast %slice3A : vector<512x1xi32> to vector<512x8xi32>
    %eq3A_312 = arith.cmpi eq, %iota3A_310, %eq3A_311 : vector<512x8xi32>
    %convert_element_type3A_313 = arith.extui %eq3A_312 : vector<512x8xi1> to vector<512x8xi32>
    %mul3A_314 = vector.broadcast %add3A_303 : vector<1x8xi32> to vector<512x8xi32>
    %mul3A_315 = arith.muli %convert_element_type3A_313, %mul3A_314 : vector<512x8xi32>
    %reduce_sum3A_316 = arith.constant dense<0> : vector<512xi32>
    %reduce_sum3A_317 = vector.multi_reduction <add>, %mul3A_315, %reduce_sum3A_316 [1] : vector<512x8xi32> to vector<512xi32>
    %broadcast_in_dim3A_318 = vector.shape_cast %reduce_sum3A_317 : vector<512xi32> to vector<512x1xi32>
    %slice3A_319 = vector.extract_strided_slice %get3A_309 {offsets = [0, 0], sizes = [512, 1], strides = [1, 1]} : vector<512x2xi32> to vector<512x1xi32>
    %add3A_320 = arith.addi %broadcast_in_dim3A_318, %slice3A_319 : vector<512x1xi32>
    %slice3A_321 = vector.extract_strided_slice %get3A_306 {offsets = [0, 1], sizes = [512, 1], strides = [1, 1]} : vector<512x2xi32> to vector<512x1xi32>
    %eq3A_322 = vector.broadcast %slice3A_321 : vector<512x1xi32> to vector<512x8xi32>
    %eq3A_323 = arith.cmpi eq, %iota3A_310, %eq3A_322 : vector<512x8xi32>
    %convert_element_type3A_324 = arith.extui %eq3A_323 : vector<512x8xi1> to vector<512x8xi32>
    %mul3A_325 = vector.broadcast %add3A_303 : vector<1x8xi32> to vector<512x8xi32>
    %mul3A_326 = arith.muli %convert_element_type3A_324, %mul3A_325 : vector<512x8xi32>
    %reduce_sum3A_327 = arith.constant dense<0> : vector<512xi32>
    %reduce_sum3A_328 = vector.multi_reduction <add>, %mul3A_326, %reduce_sum3A_327 [1] : vector<512x8xi32> to vector<512xi32>
    %broadcast_in_dim3A_329 = vector.shape_cast %reduce_sum3A_328 : vector<512xi32> to vector<512x1xi32>
    %slice3A_330 = vector.extract_strided_slice %get3A_309 {offsets = [0, 1], sizes = [512, 1], strides = [1, 1]} : vector<512x2xi32> to vector<512x1xi32>
    %add3A_331 = arith.addi %broadcast_in_dim3A_329, %slice3A_330 : vector<512x1xi32>
    %concatenate3A = tpu.concatenate %add3A_320, %add3A_331 in 1 : vector<512x1xi32>, vector<512x1xi32> -> vector<512x2xi32>
    %swap3A_332 = arith.constant 0 : index
    %swap3A_333 = arith.constant 0 : index
    %swap3A_334 = vector.load %arg4[%swap3A_332, %swap3A_333] : memref<512x2xi32, #tpu.memory_space<vmem>>, vector<512x2xi32>
    tpu.vector_store %arg4[%swap3A_332, %swap3A_333], %concatenate3A {strides = array<i32>} : memref<512x2xi32, #tpu.memory_space<vmem>>, vector<512x2xi32>,
    %transpose3A = tpu.transpose %add3A_320, [1, 0] : vector<512x1xi32> -> vector<1x512xi32>
    %swap3A_335 = arith.constant 0 : index
    %swap3A_336 = arith.constant 0 : index
    %swap3A_337 = vector.load %arg5[%swap3A_335, %swap3A_336] : memref<1x512xi32, #tpu.memory_space<vmem>>, vector<1x512xi32>
    tpu.vector_store %arg5[%swap3A_335, %swap3A_336], %transpose3A {strides = array<i32>} : memref<1x512xi32, #tpu.memory_space<vmem>>, vector<1x512xi32>,
    %transpose3A_338 = tpu.transpose %add3A_331, [1, 0] : vector<512x1xi32> -> vector<1x512xi32>
    %swap3A_339 = arith.constant 0 : index
    %swap3A_340 = arith.constant 0 : index
    %swap3A_341 = vector.load %arg6[%swap3A_339, %swap3A_340] : memref<1x512xi32, #tpu.memory_space<vmem>>, vector<1x512xi32>
    tpu.vector_store %arg6[%swap3A_339, %swap3A_340], %transpose3A_338 {strides = array<i32>} : memref<1x512xi32, #tpu.memory_space<vmem>>, vector<1x512xi32>,
    return
  }
  func.func @transform_0(%arg0: i32) -> (i32, i32, i32) {
    %c0_i32 = arith.constant 0 : i32
    %c0_i32_0 = arith.constant 0 : i32
    %c0_i32_1 = arith.constant 0 : i32
    %c0_i32_2 = arith.constant 0 : i32
    return %c0_i32, %c0_i32_0, %c0_i32_1 : i32, i32, i32
  }
  func.func @transform_1(%arg0: i32) -> (i32, i32) {
    %c0_i32 = arith.constant 0 : i32
    %c0_i32_0 = arith.constant 0 : i32
    return %arg0, %c0_i32 : i32, i32
  }
  func.func @transform_2(%arg0: i32) -> (i32, i32) {
    %c0_i32 = arith.constant 0 : i32
    %c0_i32_0 = arith.constant 0 : i32
    return %arg0, %c0_i32 : i32, i32
  }
  func.func @transform_3(%arg0: i32) -> (i32, i32) {
    %c0_i32 = arith.constant 0 : i32
    %c0_i32_0 = arith.constant 0 : i32
    return %arg0, %c0_i32 : i32, i32
  }
  func.func @transform_4(%arg0: i32) -> (i32, i32) {
    %c0_i32 = arith.constant 0 : i32
    %c0_i32_0 = arith.constant 0 : i32
    return %c0_i32, %arg0 : i32, i32
  }
  func.func @transform_5(%arg0: i32) -> (i32, i32) {
    %c0_i32 = arith.constant 0 : i32
    %c0_i32_0 = arith.constant 0 : i32
    return %c0_i32, %arg0 : i32, i32
  }
  func.func @transform_6(%arg0: i32) -> (i32, i32) {
    %c0_i32 = arith.constant 0 : i32
    %c0_i32_0 = arith.constant 0 : i32
    %c0_i32_1 = arith.constant 0 : i32
    return %c0_i32, %c0_i32_0 : i32, i32
  }
  func.func @transform_7(%arg0: i32) -> (i32, i32) {
    %c0_i32 = arith.constant 0 : i32
    %c0_i32_0 = arith.constant 0 : i32
    %c0_i32_1 = arith.constant 0 : i32
    return %c0_i32, %c0_i32_0 : i32, i32
  }
}

module attributes {stable_mosaic.version = 14 : i64} {
  func.func @_grouped_body(%arg0: i32, %arg1: memref<64xi32, #tpu.memory_space<smem>>, %arg2: memref<64xi32, #tpu.memory_space<smem>>, %arg3: memref<256x1024xf32, #tpu.memory_space<vmem>>, %arg4: memref<1x1024x512xf32, #tpu.memory_space<vmem>>, %arg5: memref<1x1024x512xf32, #tpu.memory_space<vmem>>, %arg6: memref<1x512x1024xf32, #tpu.memory_space<vmem>>, %arg7: memref<256x1024xf32, #tpu.memory_space<vmem>>) attributes {dimension_semantics = [#tpu.dimension_semantics<arbitrary>], iteration_bounds = array<i64: 24>, scalar_prefetch = 2 : i64, scratch_operands = 0 : i64, tpu.core_type = #tpu.core_type<tc>, window_params = [{transform_indices = @transform_0, window_bounds = array<i64: 256, 1024>}, {transform_indices = @transform_1, window_bounds = array<i64: 1, 1024, 512>}, {transform_indices = @transform_2, window_bounds = array<i64: 1, 1024, 512>}, {transform_indices = @transform_3, window_bounds = array<i64: 1, 512, 1024>}, {transform_indices = @transform_4, window_bounds = array<i64: 256, 1024>}]} {
    %get3A = arith.index_cast %arg0 : i32 to index
    %get3A_0 = memref.load %arg2[%get3A] : memref<64xi32, #tpu.memory_space<smem>>
    %eq3A = arith.constant 1 : i32
    %eq3A_1 = arith.cmpi eq, %get3A_0, %eq3A : i32
    %convert_element_type3A = arith.extui %eq3A_1 : i1 to i32
    %cond3A = arith.constant 0 : i32
    %cond3A_2 = arith.cmpi ne, %convert_element_type3A, %cond3A : i32
    scf.if %cond3A_2 {
      %get3A_3 = arith.constant 0 : index
      %get3A_4 = arith.constant 0 : index
      %get3A_5 = vector.load %arg3[%get3A_3, %get3A_4] : memref<256x1024xf32, #tpu.memory_space<vmem>>, vector<256x1024xf32>
      %get3A_6 = arith.constant 0 : index
      %get3A_7 = arith.constant 0 : index
      %get3A_8 = arith.constant 0 : index
      %get3A_9 = vector.load %arg4[%get3A_6, %get3A_7, %get3A_8] : memref<1x1024x512xf32, #tpu.memory_space<vmem>>, vector<1x1024x512xf32>
      %get3A_10 = vector.shape_cast %get3A_9 : vector<1x1024x512xf32> to vector<1024x512xf32>
      %dot_general3A = arith.constant dense<0.000000e+00> : vector<256x512xf32>
      %dot_general3A_11 = tpu.matmul %get3A_5, %get3A_10, %dot_general3A {dimension_numbers = #tpu.dot_dimension_numbers<[1], [0], [0], [1], [0, 0, 1, 1], [], []>, transpose_lhs_hint = false} : vector<256x1024xf32>, vector<1024x512xf32>, vector<256x512xf32> -> vector<256x512xf32>
      %get3A_12 = arith.constant 0 : index
      %get3A_13 = arith.constant 0 : index
      %get3A_14 = arith.constant 0 : index
      %get3A_15 = vector.load %arg5[%get3A_12, %get3A_13, %get3A_14] : memref<1x1024x512xf32, #tpu.memory_space<vmem>>, vector<1x1024x512xf32>
      %get3A_16 = vector.shape_cast %get3A_15 : vector<1x1024x512xf32> to vector<1024x512xf32>
      %dot_general3A_17 = arith.constant dense<0.000000e+00> : vector<256x512xf32>
      %dot_general3A_18 = tpu.matmul %get3A_5, %get3A_16, %dot_general3A_17 {dimension_numbers = #tpu.dot_dimension_numbers<[1], [0], [0], [1], [0, 0, 1, 1], [], []>, transpose_lhs_hint = false} : vector<256x1024xf32>, vector<1024x512xf32>, vector<256x512xf32> -> vector<256x512xf32>
      %logistic3A = arith.negf %dot_general3A_11 : vector<256x512xf32>
      %logistic3A_19 = math.exp %logistic3A : vector<256x512xf32>
      %logistic3A_20 = arith.constant 1.000000e+00 : f32
      %logistic3A_21 = vector.broadcast %logistic3A_20 : f32 to vector<256x512xf32>
      %logistic3A_22 = arith.addf %logistic3A_21, %logistic3A_19 : vector<256x512xf32>
      %logistic3A_23 = arith.divf %logistic3A_21, %logistic3A_22 : vector<256x512xf32>
      %mul3A = arith.mulf %dot_general3A_11, %logistic3A_23 : vector<256x512xf32>
      %mul3A_24 = arith.mulf %mul3A, %dot_general3A_18 : vector<256x512xf32>
      %get3A_25 = arith.constant 0 : index
      %get3A_26 = arith.constant 0 : index
      %get3A_27 = arith.constant 0 : index
      %get3A_28 = vector.load %arg6[%get3A_25, %get3A_26, %get3A_27] : memref<1x512x1024xf32, #tpu.memory_space<vmem>>, vector<1x512x1024xf32>
      %get3A_29 = vector.shape_cast %get3A_28 : vector<1x512x1024xf32> to vector<512x1024xf32>
      %dot_general3A_30 = arith.constant dense<0.000000e+00> : vector<256x1024xf32>
      %dot_general3A_31 = tpu.matmul %mul3A_24, %get3A_29, %dot_general3A_30 {dimension_numbers = #tpu.dot_dimension_numbers<[1], [0], [0], [1], [0, 0, 1, 1], [], []>, transpose_lhs_hint = false} : vector<256x512xf32>, vector<512x1024xf32>, vector<256x1024xf32> -> vector<256x1024xf32>
      %swap3A = arith.constant 0 : index
      %swap3A_32 = arith.constant 0 : index
      %swap3A_33 = vector.load %arg7[%swap3A, %swap3A_32] : memref<256x1024xf32, #tpu.memory_space<vmem>>, vector<256x1024xf32>
      tpu.vector_store %arg7[%swap3A, %swap3A_32], %dot_general3A_31 {strides = array<i32>} : memref<256x1024xf32, #tpu.memory_space<vmem>>, vector<256x1024xf32>,
    } else {
    }
    return
  }
  func.func @transform_0(%arg0: i32, %arg1: memref<64xi32, #tpu.memory_space<smem>>, %arg2: memref<64xi32, #tpu.memory_space<smem>>) -> (i32, i32) {
    %get3A = arith.index_cast %arg0 : i32 to index
    %get3A_0 = memref.load %arg2[%get3A] : memref<64xi32, #tpu.memory_space<smem>>
    %mul3A = arith.muli %arg0, %get3A_0 : i32
    %c0_i32 = arith.constant 0 : i32
    %c0_i32_1 = arith.constant 0 : i32
    return %mul3A, %c0_i32 : i32, i32
  }
  func.func @transform_1(%arg0: i32, %arg1: memref<64xi32, #tpu.memory_space<smem>>, %arg2: memref<64xi32, #tpu.memory_space<smem>>) -> (i32, i32, i32) {
    %get3A = arith.index_cast %arg0 : i32 to index
    %get3A_0 = memref.load %arg1[%get3A] : memref<64xi32, #tpu.memory_space<smem>>
    %c0_i32 = arith.constant 0 : i32
    %c0_i32_1 = arith.constant 0 : i32
    %c0_i32_2 = arith.constant 0 : i32
    return %get3A_0, %c0_i32, %c0_i32_1 : i32, i32, i32
  }
  func.func @transform_2(%arg0: i32, %arg1: memref<64xi32, #tpu.memory_space<smem>>, %arg2: memref<64xi32, #tpu.memory_space<smem>>) -> (i32, i32, i32) {
    %get3A = arith.index_cast %arg0 : i32 to index
    %get3A_0 = memref.load %arg1[%get3A] : memref<64xi32, #tpu.memory_space<smem>>
    %c0_i32 = arith.constant 0 : i32
    %c0_i32_1 = arith.constant 0 : i32
    %c0_i32_2 = arith.constant 0 : i32
    return %get3A_0, %c0_i32, %c0_i32_1 : i32, i32, i32
  }
  func.func @transform_3(%arg0: i32, %arg1: memref<64xi32, #tpu.memory_space<smem>>, %arg2: memref<64xi32, #tpu.memory_space<smem>>) -> (i32, i32, i32) {
    %get3A = arith.index_cast %arg0 : i32 to index
    %get3A_0 = memref.load %arg1[%get3A] : memref<64xi32, #tpu.memory_space<smem>>
    %c0_i32 = arith.constant 0 : i32
    %c0_i32_1 = arith.constant 0 : i32
    %c0_i32_2 = arith.constant 0 : i32
    return %get3A_0, %c0_i32, %c0_i32_1 : i32, i32, i32
  }
  func.func @transform_4(%arg0: i32, %arg1: memref<64xi32, #tpu.memory_space<smem>>, %arg2: memref<64xi32, #tpu.memory_space<smem>>) -> (i32, i32) {
    %get3A = arith.index_cast %arg0 : i32 to index
    %get3A_0 = memref.load %arg2[%get3A] : memref<64xi32, #tpu.memory_space<smem>>
    %mul3A = arith.muli %arg0, %get3A_0 : i32
    %get3A_1 = arith.index_cast %arg0 : i32 to index
    %get3A_2 = memref.load %arg2[%get3A_1] : memref<64xi32, #tpu.memory_space<smem>>
    %sub3A = arith.constant 1 : i32
    %sub3A_3 = arith.subi %sub3A, %get3A_2 : i32
    %mul3A_4 = arith.constant 23 : i32
    %mul3A_5 = arith.muli %mul3A_4, %sub3A_3 : i32
    %add3A = arith.addi %mul3A, %mul3A_5 : i32
    %c0_i32 = arith.constant 0 : i32
    %c0_i32_6 = arith.constant 0 : i32
    return %add3A, %c0_i32 : i32, i32
  }
}

module attributes {stable_mosaic.version = 14 : i64} {
  func.func @_router_body(%arg0: i32, %arg1: memref<512x1024xf32, #tpu.memory_space<vmem>>, %arg2: memref<1024x8xf32, #tpu.memory_space<vmem>>, %arg3: memref<8x1xf32, #tpu.memory_space<vmem>>, %arg4: memref<512x2xi32, #tpu.memory_space<vmem>>, %arg5: memref<512x2xf32, #tpu.memory_space<vmem>>, %arg6: memref<512x2xi32, #tpu.memory_space<vmem>>, %arg7: memref<1x1x8xi32, #tpu.memory_space<vmem>>) attributes {dimension_semantics = [#tpu.dimension_semantics<arbitrary>], iteration_bounds = array<i64: 4>, scalar_prefetch = 0 : i64, scratch_operands = 0 : i64, tpu.core_type = #tpu.core_type<tc>, window_params = [{transform_indices = @transform_0, window_bounds = array<i64: 512, 1024>}, {pipeline_mode = #tpu.pipeline_mode<synchronous>, transform_indices = @transform_1, window_bounds = array<i64: 1024, 8>}, {pipeline_mode = #tpu.pipeline_mode<synchronous>, transform_indices = @transform_2, window_bounds = array<i64: 8, 1>}, {transform_indices = @transform_3, window_bounds = array<i64: 512, 2>}, {transform_indices = @transform_4, window_bounds = array<i64: 512, 2>}, {transform_indices = @transform_5, window_bounds = array<i64: 512, 2>}, {transform_indices = @transform_6, window_bounds = array<i64: 1, 1, 8>}]} {
    %get3A = arith.constant 0 : index
    %get3A_0 = arith.constant 0 : index
    %get3A_1 = vector.load %arg1[%get3A, %get3A_0] : memref<512x1024xf32, #tpu.memory_space<vmem>>, vector<512x1024xf32>
    %get3A_2 = arith.constant 0 : index
    %get3A_3 = arith.constant 0 : index
    %get3A_4 = vector.load %arg2[%get3A_2, %get3A_3] : memref<1024x8xf32, #tpu.memory_space<vmem>>, vector<1024x8xf32>
    %dot_general3A = arith.constant dense<0.000000e+00> : vector<512x8xf32>
    %dot_general3A_5 = tpu.matmul %get3A_1, %get3A_4, %dot_general3A {dimension_numbers = #tpu.dot_dimension_numbers<[1], [0], [0], [1], [0, 0, 1, 1], [], []>, transpose_lhs_hint = false} : vector<512x1024xf32>, vector<1024x8xf32>, vector<512x8xf32> -> vector<512x8xf32>
    %transpose3A = tpu.transpose %dot_general3A_5, [1, 0] : vector<512x8xf32> -> vector<8x512xf32>
    %logistic3A = arith.negf %transpose3A : vector<8x512xf32>
    %logistic3A_6 = math.exp %logistic3A : vector<8x512xf32>
    %logistic3A_7 = arith.constant 1.000000e+00 : f32
    %logistic3A_8 = vector.broadcast %logistic3A_7 : f32 to vector<8x512xf32>
    %logistic3A_9 = arith.addf %logistic3A_8, %logistic3A_6 : vector<8x512xf32>
    %logistic3A_10 = arith.divf %logistic3A_8, %logistic3A_9 : vector<8x512xf32>
    %get3A_11 = arith.constant 0 : index
    %get3A_12 = arith.constant 0 : index
    %get3A_13 = vector.load %arg3[%get3A_11, %get3A_12] : memref<8x1xf32, #tpu.memory_space<vmem>>, vector<8x1xf32>
    %add3A = vector.broadcast %get3A_13 : vector<8x1xf32> to vector<8x512xf32>
    %add3A_14 = arith.addf %logistic3A_10, %add3A : vector<8x512xf32>
    %iota3A = tpu.iota {dimensions = array<i32: 0>} : vector<8x512xi32>
    %iota3A_15 = tpu.iota {dimensions = array<i32: 0>} : vector<4x512xi32>
    %slice3A = vector.extract_strided_slice %add3A_14 {offsets = [0, 0], sizes = [1, 512], strides = [1, 1]} : vector<8x512xf32> to vector<1x512xf32>
    %slice3A_16 = vector.extract_strided_slice %add3A_14 {offsets = [1, 0], sizes = [1, 512], strides = [1, 1]} : vector<8x512xf32> to vector<1x512xf32>
    %add3A_17 = arith.addf %slice3A, %slice3A_16 : vector<1x512xf32>
    %slice3A_18 = vector.extract_strided_slice %add3A_14 {offsets = [2, 0], sizes = [1, 512], strides = [1, 1]} : vector<8x512xf32> to vector<1x512xf32>
    %slice3A_19 = vector.extract_strided_slice %add3A_14 {offsets = [3, 0], sizes = [1, 512], strides = [1, 1]} : vector<8x512xf32> to vector<1x512xf32>
    %add3A_20 = arith.addf %slice3A_18, %slice3A_19 : vector<1x512xf32>
    %slice3A_21 = vector.extract_strided_slice %add3A_14 {offsets = [4, 0], sizes = [1, 512], strides = [1, 1]} : vector<8x512xf32> to vector<1x512xf32>
    %slice3A_22 = vector.extract_strided_slice %add3A_14 {offsets = [5, 0], sizes = [1, 512], strides = [1, 1]} : vector<8x512xf32> to vector<1x512xf32>
    %add3A_23 = arith.addf %slice3A_21, %slice3A_22 : vector<1x512xf32>
    %slice3A_24 = vector.extract_strided_slice %add3A_14 {offsets = [6, 0], sizes = [1, 512], strides = [1, 1]} : vector<8x512xf32> to vector<1x512xf32>
    %slice3A_25 = vector.extract_strided_slice %add3A_14 {offsets = [7, 0], sizes = [1, 512], strides = [1, 1]} : vector<8x512xf32> to vector<1x512xf32>
    %add3A_26 = arith.addf %slice3A_24, %slice3A_25 : vector<1x512xf32>
    %concatenate3A = tpu.concatenate %add3A_17, %add3A_20, %add3A_23, %add3A_26 in 0 : vector<1x512xf32>, vector<1x512xf32>, vector<1x512xf32>, vector<1x512xf32> -> vector<4x512xf32>
    %reduce_max3A = arith.constant dense<0xFF800000> : vector<512xf32>
    %reduce_max3A_27 = vector.multi_reduction <maximumf>, %concatenate3A, %reduce_max3A [0] : vector<4x512xf32> to vector<512xf32>
    %broadcast_in_dim3A = vector.shape_cast %reduce_max3A_27 : vector<512xf32> to vector<1x512xf32>
    %eq3A = vector.broadcast %broadcast_in_dim3A : vector<1x512xf32> to vector<4x512xf32>
    %eq3A_28 = arith.cmpf oeq, %concatenate3A, %eq3A : vector<4x512xf32>
    %jit3A = arith.constant 4 : i32
    %broadcast_in_dim3A_29 = vector.broadcast %jit3A : i32 to vector<4x512xi32>
    %select_n3A = arith.select %eq3A_28, %iota3A_15, %broadcast_in_dim3A_29 : vector<4x512xi1>, vector<4x512xi32>
    %reduce_min3A = arith.constant dense<2147483647> : vector<512xi32>
    %reduce_min3A_30 = vector.multi_reduction <minsi>, %select_n3A, %reduce_min3A [0] : vector<4x512xi32> to vector<512xi32>
    %broadcast_in_dim3A_31 = vector.shape_cast %reduce_min3A_30 : vector<512xi32> to vector<1x512xi32>
    %eq3A_32 = vector.broadcast %broadcast_in_dim3A_31 : vector<1x512xi32> to vector<4x512xi32>
    %eq3A_33 = arith.cmpi eq, %iota3A_15, %eq3A_32 : vector<4x512xi32>
    %jit3A_34 = arith.constant -1.000000e+30 : f32
    %broadcast_in_dim3A_35 = vector.broadcast %jit3A_34 : f32 to vector<4x512xf32>
    %select_n3A_36 = arith.select %eq3A_33, %broadcast_in_dim3A_35, %concatenate3A : vector<4x512xi1>, vector<4x512xf32>
    %reduce_max3A_37 = arith.constant dense<0xFF800000> : vector<512xf32>
    %reduce_max3A_38 = vector.multi_reduction <maximumf>, %select_n3A_36, %reduce_max3A_37 [0] : vector<4x512xf32> to vector<512xf32>
    %broadcast_in_dim3A_39 = vector.shape_cast %reduce_max3A_38 : vector<512xf32> to vector<1x512xf32>
    %eq3A_40 = vector.broadcast %broadcast_in_dim3A_39 : vector<1x512xf32> to vector<4x512xf32>
    %eq3A_41 = arith.cmpf oeq, %select_n3A_36, %eq3A_40 : vector<4x512xf32>
    %jit3A_42 = arith.constant 4 : i32
    %broadcast_in_dim3A_43 = vector.broadcast %jit3A_42 : i32 to vector<4x512xi32>
    %select_n3A_44 = arith.select %eq3A_41, %iota3A_15, %broadcast_in_dim3A_43 : vector<4x512xi1>, vector<4x512xi32>
    %reduce_min3A_45 = arith.constant dense<2147483647> : vector<512xi32>
    %reduce_min3A_46 = vector.multi_reduction <minsi>, %select_n3A_44, %reduce_min3A_45 [0] : vector<4x512xi32> to vector<512xi32>
    %broadcast_in_dim3A_47 = vector.shape_cast %reduce_min3A_46 : vector<512xi32> to vector<1x512xi32>
    %eq3A_48 = vector.broadcast %broadcast_in_dim3A_31 : vector<1x512xi32> to vector<4x512xi32>
    %eq3A_49 = arith.cmpi eq, %iota3A_15, %eq3A_48 : vector<4x512xi32>
    %eq3A_50 = vector.broadcast %broadcast_in_dim3A_47 : vector<1x512xi32> to vector<4x512xi32>
    %eq3A_51 = arith.cmpi eq, %iota3A_15, %eq3A_50 : vector<4x512xi32>
    %or3A = arith.ori %eq3A_49, %eq3A_51 : vector<4x512xi1>
    %convert_element_type3A = arith.extui %or3A : vector<4x512xi1> to vector<4x512xi32>
    %convert_element_type3A_52 = arith.sitofp %convert_element_type3A : vector<4x512xi32> to vector<4x512xf32>
    %slice3A_53 = vector.extract_strided_slice %convert_element_type3A_52 {offsets = [0, 0], sizes = [1, 512], strides = [1, 1]} : vector<4x512xf32> to vector<1x512xf32>
    %slice3A_54 = vector.extract_strided_slice %convert_element_type3A_52 {offsets = [0, 0], sizes = [1, 512], strides = [1, 1]} : vector<4x512xf32> to vector<1x512xf32>
    %slice3A_55 = vector.extract_strided_slice %convert_element_type3A_52 {offsets = [1, 0], sizes = [1, 512], strides = [1, 1]} : vector<4x512xf32> to vector<1x512xf32>
    %slice3A_56 = vector.extract_strided_slice %convert_element_type3A_52 {offsets = [1, 0], sizes = [1, 512], strides = [1, 1]} : vector<4x512xf32> to vector<1x512xf32>
    %slice3A_57 = vector.extract_strided_slice %convert_element_type3A_52 {offsets = [2, 0], sizes = [1, 512], strides = [1, 1]} : vector<4x512xf32> to vector<1x512xf32>
    %slice3A_58 = vector.extract_strided_slice %convert_element_type3A_52 {offsets = [2, 0], sizes = [1, 512], strides = [1, 1]} : vector<4x512xf32> to vector<1x512xf32>
    %slice3A_59 = vector.extract_strided_slice %convert_element_type3A_52 {offsets = [3, 0], sizes = [1, 512], strides = [1, 1]} : vector<4x512xf32> to vector<1x512xf32>
    %slice3A_60 = vector.extract_strided_slice %convert_element_type3A_52 {offsets = [3, 0], sizes = [1, 512], strides = [1, 1]} : vector<4x512xf32> to vector<1x512xf32>
    %concatenate3A_61 = tpu.concatenate %slice3A_53, %slice3A_54, %slice3A_55, %slice3A_56, %slice3A_57, %slice3A_58, %slice3A_59, %slice3A_60 in 0 : vector<1x512xf32>, vector<1x512xf32>, vector<1x512xf32>, vector<1x512xf32>, vector<1x512xf32>, vector<1x512xf32>, vector<1x512xf32>, vector<1x512xf32> -> vector<8x512xf32>
    %gt3A = arith.constant 5.000000e-01 : f32
    %gt3A_62 = vector.broadcast %gt3A : f32 to vector<8x512xf32>
    %gt3A_63 = arith.cmpf ogt, %concatenate3A_61, %gt3A_62 : vector<8x512xf32>
    %jit3A_64 = arith.constant -1.000000e+30 : f32
    %broadcast_in_dim3A_65 = vector.broadcast %jit3A_64 : f32 to vector<8x512xf32>
    %select_n3A_66 = arith.select %gt3A_63, %add3A_14, %broadcast_in_dim3A_65 : vector<8x512xi1>, vector<8x512xf32>
    %reduce_max3A_67 = arith.constant dense<0xFF800000> : vector<512xf32>
    %reduce_max3A_68 = vector.multi_reduction <maximumf>, %select_n3A_66, %reduce_max3A_67 [0] : vector<8x512xf32> to vector<512xf32>
    %broadcast_in_dim3A_69 = vector.shape_cast %reduce_max3A_68 : vector<512xf32> to vector<1x512xf32>
    %eq3A_70 = vector.broadcast %broadcast_in_dim3A_69 : vector<1x512xf32> to vector<8x512xf32>
    %eq3A_71 = arith.cmpf oeq, %select_n3A_66, %eq3A_70 : vector<8x512xf32>
    %jit3A_72 = arith.constant 8 : i32
    %broadcast_in_dim3A_73 = vector.broadcast %jit3A_72 : i32 to vector<8x512xi32>
    %select_n3A_74 = arith.select %eq3A_71, %iota3A, %broadcast_in_dim3A_73 : vector<8x512xi1>, vector<8x512xi32>
    %reduce_min3A_75 = arith.constant dense<2147483647> : vector<512xi32>
    %reduce_min3A_76 = vector.multi_reduction <minsi>, %select_n3A_74, %reduce_min3A_75 [0] : vector<8x512xi32> to vector<512xi32>
    %broadcast_in_dim3A_77 = vector.shape_cast %reduce_min3A_76 : vector<512xi32> to vector<1x512xi32>
    %eq3A_78 = vector.broadcast %broadcast_in_dim3A_77 : vector<1x512xi32> to vector<8x512xi32>
    %eq3A_79 = arith.cmpi eq, %iota3A, %eq3A_78 : vector<8x512xi32>
    %jit3A_80 = arith.constant 0.000000e+00 : f32
    %broadcast_in_dim3A_81 = vector.broadcast %jit3A_80 : f32 to vector<8x512xf32>
    %select_n3A_82 = arith.select %eq3A_79, %logistic3A_10, %broadcast_in_dim3A_81 : vector<8x512xi1>, vector<8x512xf32>
    %reduce_sum3A = arith.constant dense<0.000000e+00> : vector<512xf32>
    %reduce_sum3A_83 = vector.multi_reduction <add>, %select_n3A_82, %reduce_sum3A [0] : vector<8x512xf32> to vector<512xf32>
    %broadcast_in_dim3A_84 = vector.shape_cast %reduce_sum3A_83 : vector<512xf32> to vector<1x512xf32>
    %eq3A_85 = vector.broadcast %broadcast_in_dim3A_77 : vector<1x512xi32> to vector<8x512xi32>
    %eq3A_86 = arith.cmpi eq, %iota3A, %eq3A_85 : vector<8x512xi32>
    %jit3A_87 = arith.constant -1.000000e+30 : f32
    %broadcast_in_dim3A_88 = vector.broadcast %jit3A_87 : f32 to vector<8x512xf32>
    %select_n3A_89 = arith.select %eq3A_86, %broadcast_in_dim3A_88, %select_n3A_66 : vector<8x512xi1>, vector<8x512xf32>
    %reduce_max3A_90 = arith.constant dense<0xFF800000> : vector<512xf32>
    %reduce_max3A_91 = vector.multi_reduction <maximumf>, %select_n3A_89, %reduce_max3A_90 [0] : vector<8x512xf32> to vector<512xf32>
    %broadcast_in_dim3A_92 = vector.shape_cast %reduce_max3A_91 : vector<512xf32> to vector<1x512xf32>
    %eq3A_93 = vector.broadcast %broadcast_in_dim3A_92 : vector<1x512xf32> to vector<8x512xf32>
    %eq3A_94 = arith.cmpf oeq, %select_n3A_89, %eq3A_93 : vector<8x512xf32>
    %jit3A_95 = arith.constant 8 : i32
    %broadcast_in_dim3A_96 = vector.broadcast %jit3A_95 : i32 to vector<8x512xi32>
    %select_n3A_97 = arith.select %eq3A_94, %iota3A, %broadcast_in_dim3A_96 : vector<8x512xi1>, vector<8x512xi32>
    %reduce_min3A_98 = arith.constant dense<2147483647> : vector<512xi32>
    %reduce_min3A_99 = vector.multi_reduction <minsi>, %select_n3A_97, %reduce_min3A_98 [0] : vector<8x512xi32> to vector<512xi32>
    %broadcast_in_dim3A_100 = vector.shape_cast %reduce_min3A_99 : vector<512xi32> to vector<1x512xi32>
    %eq3A_101 = vector.broadcast %broadcast_in_dim3A_100 : vector<1x512xi32> to vector<8x512xi32>
    %eq3A_102 = arith.cmpi eq, %iota3A, %eq3A_101 : vector<8x512xi32>
    %jit3A_103 = arith.constant 0.000000e+00 : f32
    %broadcast_in_dim3A_104 = vector.broadcast %jit3A_103 : f32 to vector<8x512xf32>
    %select_n3A_105 = arith.select %eq3A_102, %logistic3A_10, %broadcast_in_dim3A_104 : vector<8x512xi1>, vector<8x512xf32>
    %reduce_sum3A_106 = arith.constant dense<0.000000e+00> : vector<512xf32>
    %reduce_sum3A_107 = vector.multi_reduction <add>, %select_n3A_105, %reduce_sum3A_106 [0] : vector<8x512xf32> to vector<512xf32>
    %broadcast_in_dim3A_108 = vector.shape_cast %reduce_sum3A_107 : vector<512xf32> to vector<1x512xf32>
    %eq3A_109 = vector.broadcast %broadcast_in_dim3A_77 : vector<1x512xi32> to vector<8x512xi32>
    %eq3A_110 = arith.cmpi eq, %iota3A, %eq3A_109 : vector<8x512xi32>
    %convert_element_type3A_111 = arith.extui %eq3A_110 : vector<8x512xi1> to vector<8x512xi32>
    %convert_element_type3A_112 = arith.sitofp %convert_element_type3A_111 : vector<8x512xi32> to vector<8x512xf32>
    %eq3A_113 = vector.broadcast %broadcast_in_dim3A_100 : vector<1x512xi32> to vector<8x512xi32>
    %eq3A_114 = arith.cmpi eq, %iota3A, %eq3A_113 : vector<8x512xi32>
    %convert_element_type3A_115 = arith.extui %eq3A_114 : vector<8x512xi1> to vector<8x512xi32>
    %convert_element_type3A_116 = arith.sitofp %convert_element_type3A_115 : vector<8x512xi32> to vector<8x512xf32>
    %add3A_117 = arith.addf %convert_element_type3A_112, %convert_element_type3A_116 : vector<8x512xf32>
    %iota3A_118 = tpu.iota {dimensions = array<i32: 0>} : vector<512x512xi32>
    %iota3A_119 = tpu.iota {dimensions = array<i32: 1>} : vector<512x512xi32>
    %lt3A = arith.cmpi slt, %iota3A_118, %iota3A_119 : vector<512x512xi32>
    %convert_element_type3A_120 = arith.extui %lt3A : vector<512x512xi1> to vector<512x512xi32>
    %convert_element_type3A_121 = arith.sitofp %convert_element_type3A_120 : vector<512x512xi32> to vector<512x512xf32>
    %dot_general3A_122 = arith.constant dense<0.000000e+00> : vector<8x512xf32>
    %dot_general3A_123 = tpu.matmul %add3A_117, %convert_element_type3A_121, %dot_general3A_122 {dimension_numbers = #tpu.dot_dimension_numbers<[1], [0], [0], [1], [0, 0, 1, 1], [], []>, transpose_lhs_hint = false} : vector<8x512xf32>, vector<512x512xf32>, vector<8x512xf32> -> vector<8x512xf32>
    %mul3A = arith.mulf %convert_element_type3A_112, %dot_general3A_123 : vector<8x512xf32>
    %reduce_sum3A_124 = arith.constant dense<0.000000e+00> : vector<512xf32>
    %reduce_sum3A_125 = vector.multi_reduction <add>, %mul3A, %reduce_sum3A_124 [0] : vector<8x512xf32> to vector<512xf32>
    %broadcast_in_dim3A_126 = vector.shape_cast %reduce_sum3A_125 : vector<512xf32> to vector<1x512xf32>
    %mul3A_127 = arith.mulf %convert_element_type3A_116, %dot_general3A_123 : vector<8x512xf32>
    %reduce_sum3A_128 = arith.constant dense<0.000000e+00> : vector<512xf32>
    %reduce_sum3A_129 = vector.multi_reduction <add>, %mul3A_127, %reduce_sum3A_128 [0] : vector<8x512xf32> to vector<512xf32>
    %broadcast_in_dim3A_130 = vector.shape_cast %reduce_sum3A_129 : vector<512xf32> to vector<1x512xf32>
    %concatenate3A_131 = tpu.concatenate %broadcast_in_dim3A_77, %broadcast_in_dim3A_100 in 0 : vector<1x512xi32>, vector<1x512xi32> -> vector<2x512xi32>
    %convert_element_type3A_132 = arith.sitofp %concatenate3A_131 : vector<2x512xi32> to vector<2x512xf32>
    %transpose3A_133 = tpu.transpose %convert_element_type3A_132, [1, 0] : vector<2x512xf32> -> vector<512x2xf32>
    %convert_element_type3A_134 = arith.fptosi %transpose3A_133 : vector<512x2xf32> to vector<512x2xi32>
    %swap3A = arith.constant 0 : index
    %swap3A_135 = arith.constant 0 : index
    %swap3A_136 = vector.load %arg4[%swap3A, %swap3A_135] : memref<512x2xi32, #tpu.memory_space<vmem>>, vector<512x2xi32>
    tpu.vector_store %arg4[%swap3A, %swap3A_135], %convert_element_type3A_134 {strides = array<i32>} : memref<512x2xi32, #tpu.memory_space<vmem>>, vector<512x2xi32>,
    %concatenate3A_137 = tpu.concatenate %broadcast_in_dim3A_84, %broadcast_in_dim3A_108 in 0 : vector<1x512xf32>, vector<1x512xf32> -> vector<2x512xf32>
    %transpose3A_138 = tpu.transpose %concatenate3A_137, [1, 0] : vector<2x512xf32> -> vector<512x2xf32>
    %swap3A_139 = arith.constant 0 : index
    %swap3A_140 = arith.constant 0 : index
    %swap3A_141 = vector.load %arg5[%swap3A_139, %swap3A_140] : memref<512x2xf32, #tpu.memory_space<vmem>>, vector<512x2xf32>
    tpu.vector_store %arg5[%swap3A_139, %swap3A_140], %transpose3A_138 {strides = array<i32>} : memref<512x2xf32, #tpu.memory_space<vmem>>, vector<512x2xf32>,
    %concatenate3A_142 = tpu.concatenate %broadcast_in_dim3A_126, %broadcast_in_dim3A_130 in 0 : vector<1x512xf32>, vector<1x512xf32> -> vector<2x512xf32>
    %transpose3A_143 = tpu.transpose %concatenate3A_142, [1, 0] : vector<2x512xf32> -> vector<512x2xf32>
    %convert_element_type3A_144 = arith.fptosi %transpose3A_143 : vector<512x2xf32> to vector<512x2xi32>
    %swap3A_145 = arith.constant 0 : index
    %swap3A_146 = arith.constant 0 : index
    %swap3A_147 = vector.load %arg6[%swap3A_145, %swap3A_146] : memref<512x2xi32, #tpu.memory_space<vmem>>, vector<512x2xi32>
    tpu.vector_store %arg6[%swap3A_145, %swap3A_146], %convert_element_type3A_144 {strides = array<i32>} : memref<512x2xi32, #tpu.memory_space<vmem>>, vector<512x2xi32>,
    %reduce_sum3A_148 = arith.constant dense<0.000000e+00> : vector<8xf32>
    %reduce_sum3A_149 = vector.multi_reduction <add>, %add3A_117, %reduce_sum3A_148 [1] : vector<8x512xf32> to vector<8xf32>
    %broadcast_in_dim3A_150 = vector.shape_cast %reduce_sum3A_149 : vector<8xf32> to vector<8x1xf32>
    %transpose3A_151 = tpu.transpose %broadcast_in_dim3A_150, [1, 0] : vector<8x1xf32> -> vector<1x8xf32>
    %broadcast_in_dim3A_152 = vector.shape_cast %transpose3A_151 : vector<1x8xf32> to vector<1x1x8xf32>
    %convert_element_type3A_153 = arith.fptosi %broadcast_in_dim3A_152 : vector<1x1x8xf32> to vector<1x1x8xi32>
    %swap3A_154 = arith.constant 0 : index
    %swap3A_155 = arith.constant 0 : index
    %swap3A_156 = arith.constant 0 : index
    %swap3A_157 = vector.load %arg7[%swap3A_154, %swap3A_155, %swap3A_156] : memref<1x1x8xi32, #tpu.memory_space<vmem>>, vector<1x1x8xi32>
    tpu.vector_store %arg7[%swap3A_154, %swap3A_155, %swap3A_156], %convert_element_type3A_153 {strides = array<i32>} : memref<1x1x8xi32, #tpu.memory_space<vmem>>, vector<1x1x8xi32>,
    return
  }
  func.func @transform_0(%arg0: i32) -> (i32, i32) {
    %c0_i32 = arith.constant 0 : i32
    %c0_i32_0 = arith.constant 0 : i32
    return %arg0, %c0_i32 : i32, i32
  }
  func.func @transform_1(%arg0: i32) -> (i32, i32) {
    %c0_i32 = arith.constant 0 : i32
    %c0_i32_0 = arith.constant 0 : i32
    %c0_i32_1 = arith.constant 0 : i32
    return %c0_i32, %c0_i32_0 : i32, i32
  }
  func.func @transform_2(%arg0: i32) -> (i32, i32) {
    %c0_i32 = arith.constant 0 : i32
    %c0_i32_0 = arith.constant 0 : i32
    %c0_i32_1 = arith.constant 0 : i32
    return %c0_i32, %c0_i32_0 : i32, i32
  }
  func.func @transform_3(%arg0: i32) -> (i32, i32) {
    %c0_i32 = arith.constant 0 : i32
    %c0_i32_0 = arith.constant 0 : i32
    return %arg0, %c0_i32 : i32, i32
  }
  func.func @transform_4(%arg0: i32) -> (i32, i32) {
    %c0_i32 = arith.constant 0 : i32
    %c0_i32_0 = arith.constant 0 : i32
    return %arg0, %c0_i32 : i32, i32
  }
  func.func @transform_5(%arg0: i32) -> (i32, i32) {
    %c0_i32 = arith.constant 0 : i32
    %c0_i32_0 = arith.constant 0 : i32
    return %arg0, %c0_i32 : i32, i32
  }
  func.func @transform_6(%arg0: i32) -> (i32, i32, i32) {
    %c0_i32 = arith.constant 0 : i32
    %c0_i32_0 = arith.constant 0 : i32
    %c0_i32_1 = arith.constant 0 : i32
    return %arg0, %c0_i32, %c0_i32_0 : i32, i32, i32
  }
}

module attributes {stable_mosaic.version = 14 : i64} {
  func.func @_shared_body(%arg0: i32, %arg1: memref<512x1024xf32, #tpu.memory_space<vmem>>, %arg2: memref<1024x1024xf32, #tpu.memory_space<vmem>>, %arg3: memref<1024x1024xf32, #tpu.memory_space<vmem>>, %arg4: memref<1024x1024xf32, #tpu.memory_space<vmem>>, %arg5: memref<512x1024xf32, #tpu.memory_space<vmem>>) attributes {dimension_semantics = [#tpu.dimension_semantics<arbitrary>], iteration_bounds = array<i64: 4>, scalar_prefetch = 0 : i64, scratch_operands = 0 : i64, tpu.core_type = #tpu.core_type<tc>, window_params = [{transform_indices = @transform_0, window_bounds = array<i64: 512, 1024>}, {pipeline_mode = #tpu.pipeline_mode<synchronous>, transform_indices = @transform_1, window_bounds = array<i64: 1024, 1024>}, {pipeline_mode = #tpu.pipeline_mode<synchronous>, transform_indices = @transform_2, window_bounds = array<i64: 1024, 1024>}, {pipeline_mode = #tpu.pipeline_mode<synchronous>, transform_indices = @transform_3, window_bounds = array<i64: 1024, 1024>}, {transform_indices = @transform_4, window_bounds = array<i64: 512, 1024>}]} {
    %get3A = arith.constant 0 : index
    %get3A_0 = arith.constant 0 : index
    %get3A_1 = vector.load %arg1[%get3A, %get3A_0] : memref<512x1024xf32, #tpu.memory_space<vmem>>, vector<512x1024xf32>
    %get3A_2 = arith.constant 0 : index
    %get3A_3 = arith.constant 0 : index
    %get3A_4 = vector.load %arg2[%get3A_2, %get3A_3] : memref<1024x1024xf32, #tpu.memory_space<vmem>>, vector<1024x1024xf32>
    %dot_general3A = arith.constant dense<0.000000e+00> : vector<512x1024xf32>
    %dot_general3A_5 = tpu.matmul %get3A_1, %get3A_4, %dot_general3A {dimension_numbers = #tpu.dot_dimension_numbers<[1], [0], [0], [1], [0, 0, 1, 1], [], []>, transpose_lhs_hint = false} : vector<512x1024xf32>, vector<1024x1024xf32>, vector<512x1024xf32> -> vector<512x1024xf32>
    %get3A_6 = arith.constant 0 : index
    %get3A_7 = arith.constant 0 : index
    %get3A_8 = vector.load %arg3[%get3A_6, %get3A_7] : memref<1024x1024xf32, #tpu.memory_space<vmem>>, vector<1024x1024xf32>
    %dot_general3A_9 = arith.constant dense<0.000000e+00> : vector<512x1024xf32>
    %dot_general3A_10 = tpu.matmul %get3A_1, %get3A_8, %dot_general3A_9 {dimension_numbers = #tpu.dot_dimension_numbers<[1], [0], [0], [1], [0, 0, 1, 1], [], []>, transpose_lhs_hint = false} : vector<512x1024xf32>, vector<1024x1024xf32>, vector<512x1024xf32> -> vector<512x1024xf32>
    %logistic3A = arith.negf %dot_general3A_5 : vector<512x1024xf32>
    %logistic3A_11 = math.exp %logistic3A : vector<512x1024xf32>
    %logistic3A_12 = arith.constant 1.000000e+00 : f32
    %logistic3A_13 = vector.broadcast %logistic3A_12 : f32 to vector<512x1024xf32>
    %logistic3A_14 = arith.addf %logistic3A_13, %logistic3A_11 : vector<512x1024xf32>
    %logistic3A_15 = arith.divf %logistic3A_13, %logistic3A_14 : vector<512x1024xf32>
    %mul3A = arith.mulf %dot_general3A_5, %logistic3A_15 : vector<512x1024xf32>
    %mul3A_16 = arith.mulf %mul3A, %dot_general3A_10 : vector<512x1024xf32>
    %get3A_17 = arith.constant 0 : index
    %get3A_18 = arith.constant 0 : index
    %get3A_19 = vector.load %arg4[%get3A_17, %get3A_18] : memref<1024x1024xf32, #tpu.memory_space<vmem>>, vector<1024x1024xf32>
    %dot_general3A_20 = arith.constant dense<0.000000e+00> : vector<512x1024xf32>
    %dot_general3A_21 = tpu.matmul %mul3A_16, %get3A_19, %dot_general3A_20 {dimension_numbers = #tpu.dot_dimension_numbers<[1], [0], [0], [1], [0, 0, 1, 1], [], []>, transpose_lhs_hint = false} : vector<512x1024xf32>, vector<1024x1024xf32>, vector<512x1024xf32> -> vector<512x1024xf32>
    %swap3A = arith.constant 0 : index
    %swap3A_22 = arith.constant 0 : index
    %swap3A_23 = vector.load %arg5[%swap3A, %swap3A_22] : memref<512x1024xf32, #tpu.memory_space<vmem>>, vector<512x1024xf32>
    tpu.vector_store %arg5[%swap3A, %swap3A_22], %dot_general3A_21 {strides = array<i32>} : memref<512x1024xf32, #tpu.memory_space<vmem>>, vector<512x1024xf32>,
    return
  }
  func.func @transform_0(%arg0: i32) -> (i32, i32) {
    %c0_i32 = arith.constant 0 : i32
    %c0_i32_0 = arith.constant 0 : i32
    return %arg0, %c0_i32 : i32, i32
  }
  func.func @transform_1(%arg0: i32) -> (i32, i32) {
    %c0_i32 = arith.constant 0 : i32
    %c0_i32_0 = arith.constant 0 : i32
    %c0_i32_1 = arith.constant 0 : i32
    return %c0_i32, %c0_i32_0 : i32, i32
  }
  func.func @transform_2(%arg0: i32) -> (i32, i32) {
    %c0_i32 = arith.constant 0 : i32
    %c0_i32_0 = arith.constant 0 : i32
    %c0_i32_1 = arith.constant 0 : i32
    return %c0_i32, %c0_i32_0 : i32, i32
  }
  func.func @transform_3(%arg0: i32) -> (i32, i32) {
    %c0_i32 = arith.constant 0 : i32
    %c0_i32_0 = arith.constant 0 : i32
    %c0_i32_1 = arith.constant 0 : i32
    return %c0_i32, %c0_i32_0 : i32, i32
  }
  func.func @transform_4(%arg0: i32) -> (i32, i32) {
    %c0_i32 = arith.constant 0 : i32
    %c0_i32_0 = arith.constant 0 : i32
    return %arg0, %c0_i32 : i32, i32
  }
}

module attributes {stable_mosaic.version = 14 : i64} {
  func.func @_combine_body(%arg0: i32, %arg1: memref<512x1024xf32, #tpu.memory_space<vmem>>, %arg2: memref<512x2048xf32, #tpu.memory_space<vmem>>, %arg3: memref<512x2xf32, #tpu.memory_space<vmem>>, %arg4: memref<512x1024xf32, #tpu.memory_space<vmem>>) attributes {dimension_semantics = [#tpu.dimension_semantics<arbitrary>], iteration_bounds = array<i64: 4>, scalar_prefetch = 0 : i64, scratch_operands = 0 : i64, tpu.core_type = #tpu.core_type<tc>, window_params = [{transform_indices = @transform_0, window_bounds = array<i64: 512, 1024>}, {transform_indices = @transform_1, window_bounds = array<i64: 512, 2048>}, {transform_indices = @transform_2, window_bounds = array<i64: 512, 2>}, {transform_indices = @transform_3, window_bounds = array<i64: 512, 1024>}]} {
    %get3A = arith.constant 0 : index
    %get3A_0 = arith.constant 0 : index
    %get3A_1 = vector.load %arg3[%get3A, %get3A_0] : memref<512x2xf32, #tpu.memory_space<vmem>>, vector<512x1xf32>
    %get3A_2 = arith.constant 0 : index
    %get3A_3 = arith.constant 1 : index
    %get3A_4 = vector.load %arg3[%get3A_2, %get3A_3] : memref<512x2xf32, #tpu.memory_space<vmem>>, vector<512x1xf32>
    %get3A_5 = arith.constant 0 : index
    %get3A_6 = arith.constant 0 : index
    %get3A_7 = vector.load %arg2[%get3A_5, %get3A_6] : memref<512x2048xf32, #tpu.memory_space<vmem>>, vector<512x2048xf32>
    %get3A_8 = arith.constant 0 : index
    %get3A_9 = arith.constant 0 : index
    %get3A_10 = vector.load %arg1[%get3A_8, %get3A_9] : memref<512x1024xf32, #tpu.memory_space<vmem>>, vector<512x1024xf32>
    %slice3A = vector.extract_strided_slice %get3A_7 {offsets = [0, 0], sizes = [512, 1024], strides = [1, 1]} : vector<512x2048xf32> to vector<512x1024xf32>
    %mul3A = vector.broadcast %get3A_1 : vector<512x1xf32> to vector<512x1024xf32>
    %mul3A_11 = arith.mulf %mul3A, %slice3A : vector<512x1024xf32>
    %add3A = arith.addf %get3A_10, %mul3A_11 : vector<512x1024xf32>
    %slice3A_12 = vector.extract_strided_slice %get3A_7 {offsets = [0, 1024], sizes = [512, 1024], strides = [1, 1]} : vector<512x2048xf32> to vector<512x1024xf32>
    %mul3A_13 = vector.broadcast %get3A_4 : vector<512x1xf32> to vector<512x1024xf32>
    %mul3A_14 = arith.mulf %mul3A_13, %slice3A_12 : vector<512x1024xf32>
    %add3A_15 = arith.addf %add3A, %mul3A_14 : vector<512x1024xf32>
    %swap3A = arith.constant 0 : index
    %swap3A_16 = arith.constant 0 : index
    %swap3A_17 = vector.load %arg4[%swap3A, %swap3A_16] : memref<512x1024xf32, #tpu.memory_space<vmem>>, vector<512x1024xf32>
    tpu.vector_store %arg4[%swap3A, %swap3A_16], %add3A_15 {strides = array<i32>} : memref<512x1024xf32, #tpu.memory_space<vmem>>, vector<512x1024xf32>,
    return
  }
  func.func @transform_0(%arg0: i32) -> (i32, i32) {
    %c0_i32 = arith.constant 0 : i32
    %c0_i32_0 = arith.constant 0 : i32
    return %arg0, %c0_i32 : i32, i32
  }
  func.func @transform_1(%arg0: i32) -> (i32, i32) {
    %c0_i32 = arith.constant 0 : i32
    %c0_i32_0 = arith.constant 0 : i32
    return %arg0, %c0_i32 : i32, i32
  }
  func.func @transform_2(%arg0: i32) -> (i32, i32) {
    %c0_i32 = arith.constant 0 : i32
    %c0_i32_0 = arith.constant 0 : i32
    return %arg0, %c0_i32 : i32, i32
  }
  func.func @transform_3(%arg0: i32) -> (i32, i32) {
    %c0_i32 = arith.constant 0 : i32
    %c0_i32_0 = arith.constant 0 : i32
    return %arg0, %c0_i32 : i32, i32
  }
}

</mosaic_0001>

<sc_bundles>
// kernel: kernel.12.cloned.1.call-start
scs
__scs_entry_jumppad:
0x0: {  	(pc) =	sbr.rel $0x88, $3  }
0x1: {  	(tag) =	ssettag $0x0;
	lr =	simm.s32 $0x1  }
0x2: {  	[smem:$0x3F98] =	sst lr;
	_ =	strace $0xD0000000  }
0x3: {  	_ = 	snop  }
0x4: {  	_ = 	snop  }
0x5: {  	_ = 	snop  }
0x6: {  	_ = 	snop  }
0x7: {  	_ = 	snop  }
__scs_overlays_trampoline_lowered:
0x8: {  	[smem:$0x3FA7] =	sst s0  }
0x9: {  	[smem:$0x3FA8] =	sst s1  }
0xa: {  	[smem:$0x3FA9] =	sst s2  }
0xb: {  	[smem:$0x3FAA] =	sst s3  }
0xc: {  	[smem:$0x3FAB] =	sst s4  }
0xd: {  	[smem:$0x3FAC] =	sst s5  }
0xe: {  	[smem:$0x3FAD] =	sst s6  }
0xf: {  	[smem:$0x3FAE] =	sst s7  }
0x10: {  	[smem:$0x3FAF] =	sst s8  }
0x11: {  	[smem:$0x3FB0] =	sst s9;
	s0 =	simm.s32 @!p0 $0x0  }
0x12: {  	s1 =	sld [smem:$0x3F96];
	s0 =	simm.s32 @p0 $0x1  }
0x13: {  	[smem:$0x3FB1] =	sst s0;
	s0 =	simm.s32 @!p1 $0x0  }
0x14: {  	s2 =	sld [smem:$0x3F95];
	s0 =	simm.s32 @p1 $0x1  }
0x15: {  	[smem:$0x3FB2] =	sst s0;
	s0 =	simm.s32 @!p2 $0x0  }
0x16: {  	s3 =	sld [smem:$0x3FDB];
	s0 =	simm.s32 @p2 $0x1  }
0x17: {  	s4 =	simm.s32 $0x1BF5;
	[smem:$0x3FB4] =	sst s0  }
0x18: {  	s0 =	sld [smem:$0x3F97];
	_ =	swait.ge [sflag:s4], $0x0  }
0x19: {  	s7 =	sld [smem:$0x3F98]  }
0x1a: {  	s8 =	sadd.s32 $0xFFFFE003, lr  }
0x1b: {  	s9 =	sadd.s32 $0xFFFFFEF7, lr;
	s5 =	simm.s32 $0xFFFFFFFF;
	p2 =	slt.u32 s8, $0xFFFFF086  }
0x1c: {  	p1 =	slt.u32 s9, $0xF7A;
	s5 =	simm.s32 @!p2 $0x0  }
0x1d: {  	s5 =	simm.s32 @p1 $0x1;
	p0 =	seq.s32 s7, s2  }
0x1e: {  	s7 =	smul.u32 @!p0 $0xF7A, s2;
	p2 =	seq.s32 @!p0 s5, $0x0  }
0x1f: {  	s9 =	smul.u32 $0xF7A, s1;
	s8 =	simm.s32 @!p0 $0x1BF5;
	p2 =	por !p2, p0  }
0x20: {  	[sflag:s8] =	ssyncset.s32 @!p0 $0xFFFFF086;
	s6 =	sadd.s32 @!p0 s3, s7;
	s7 =	simm.s32 @!p0 $0x108  }
0x21: {  	s3 =	sadd.s32 s3, s9;
	s6 =	sadd.s32 @!p0 $0x88, s6;
	s7 =	simm.s32 @p2 $0x1082  }
0x22: {  	[simem:s7], [sflag:s8] =	dma.local @!p0 [hbm:s6], $0xF7A  }
0x23: {  	s9 =	sor.u32 $0xD0000000, s2;
	s6 =	simm.s32 $0x108;
	_ =	swait.ge @!p0 [sflag:s8], $0x0  }
0x24: {  	s3 =	sadd.s32 $0x88, s3;
	s6 =	simm.s32 @!p1 $0x1082;
	[sflag:s4] =	ssyncset.s32 $0xFFFFF086  }
0x25: {  	[simem:s6], [sflag:s4] =	dma.local [hbm:s3], $0xF7A  }
0x26: {  	[smem:$0x3F98] =	sst s1;
	(tag) =	ssettag s2;
	_ =	strace s9  }
0x27: {  	s1 =	sld [smem:$0x3FA8]  }
0x28: {  	s2 =	sld [smem:$0x3FA9]  }
0x29: {  	s4 =	sld [smem:$0x3FAB]  }
0x2a: {  	p0 =	seq.s32 s5, $0x0;
	s5 =	sld [smem:$0x3FAC]  }
0x2b: {  	s6 =	sld [smem:$0x3FAD]  }
0x2c: {  	s7 =	sld [smem:$0x3FAE]  }
0x2d: {  	s3 =	simm.s32 $0x108;
	s8 =	sld [smem:$0x3FAF]  }
0x2e: {  	s3 =	simm.s32 @!p0 $0x1082;
	s9 =	sld [smem:$0x3FB0]  }
0x2f: {  	lr =	sadd.s32 s0, s3;
	s0 =	sld [smem:$0x3FA7]  }
0x30: {  	s3 =	sld [smem:$0x3FAA]  }
0x31: {  	[smem:$0x3FB3] =	sst s10  }
0x32: {  	s10 =	sld [smem:$0x3FB1];
	_ =	sdelay $0x3  }
0x33: {  	p0 =	seq.s32 s10, $0x1;
	s10 =	sld [smem:$0x3FB3];
	_ =	sdelay $0x3  }
0x34: {  	[smem:$0x3FB3] =	sst s10  }
0x35: {  	s10 =	sld [smem:$0x3FB2];
	_ =	sdelay $0x3  }
0x36: {  	p1 =	seq.s32 s10, $0x1;
	s10 =	sld [smem:$0x3FB3];
	_ =	sdelay $0x3  }
0x37: {  	[smem:$0x3FB3] =	sst s10  }
0x38: {  	s10 =	sld [smem:$0x3FB4]  }
0x39: {  	_ = 	snop;
	(pc) =	sbr.ind lr, $3  }
0x3a: {  	_ = 	snop  }
0x3b: {  	_ = 	snop  }
0x3c: {  	p2 =	seq.s32 s10, $0x1;
	s10 =	sld [smem:$0x3FB3]  }
0x3d: {  	_ =	shalt  }
0x3e: {  	_ =	shalt  }
0x3f: {  	_ =	shalt  }
0x40: {  	_ =	shalt  }
0x41: {  	_ =	shalt  }
0x42: {  	_ =	shalt  }
0x43: {  	_ =	shalt  }
0x44: {  	_ =	shalt  }
0x45: {  	_ =	shalt  }
0x46: {  	_ =	shalt  }
0x47: {  	_ =	shalt  }
0x48: {  	_ =	shalt  }
0x49: {  	_ =	shalt  }
0x4a: {  	_ =	shalt  }
0x4b: {  	_ =	shalt  }
0x4c: {  	_ =	shalt  }
0x4d: {  	_ =	shalt  }
0x4e: {  	_ =	shalt  }
0x4f: {  	_ =	shalt  }
0x50: {  	_ =	shalt  }
0x51: {  	_ =	shalt  }
0x52: {  	_ =	shalt  }
0x53: {  	_ =	shalt  }
0x54: {  	_ =	shalt  }
0x55: {  	_ =	shalt  }
0x56: {  	_ =	shalt  }
0x57: {  	_ =	shalt  }
0x58: {  	_ =	shalt  }
0x59: {  	_ =	shalt  }
0x5a: {  	_ =	shalt  }
0x5b: {  	_ =	shalt  }
0x5c: {  	_ =	shalt  }
0x5d: {  	_ =	shalt  }
0x5e: {  	_ =	shalt  }
0x5f: {  	_ =	shalt  }
0x60: {  	_ =	shalt  }
0x61: {  	_ =	shalt  }
0x62: {  	_ =	shalt  }
0x63: {  	_ =	shalt  }
0x64: {  	_ =	shalt  }
0x65: {  	_ =	shalt  }
0x66: {  	_ =	shalt  }
0x67: {  	_ =	shalt  }
0x68: {  	_ =	shalt  }
0x69: {  	_ =	shalt  }
0x6a: {  	_ =	shalt  }
0x6b: {  	_ =	shalt  }
0x6c: {  	_ =	shalt  }
0x6d: {  	_ =	shalt  }
0x6e: {  	_ =	shalt  }
0x6f: {  	_ =	shalt  }
0x70: {  	_ =	shalt  }
0x71: {  	_ =	shalt  }
0x72: {  	_ =	shalt  }
0x73: {  	_ =	shalt  }
0x74: {  	_ =	shalt  }
0x75: {  	_ =	shalt  }
0x76: {  	_ =	shalt  }
0x77: {  	_ =	shalt  }
0x78: {  	_ =	shalt  }
0x79: {  	_ =	shalt  }
0x7a: {  	_ =	shalt  }
0x7b: {  	_ =	shalt  }
0x7c: {  	_ =	shalt  }
0x7d: {  	_ =	shalt  }
0x7e: {  	_ =	shalt  }
0x7f: {  	_ =	shalt  }
0x80: {  	_ =	shalt  }
0x81: {  	_ =	shalt  }
0x82: {  	_ =	shalt  }
0x83: {  	_ =	shalt  }
0x84: {  	_ =	shalt  }
0x85: {  	_ =	shalt  }
0x86: {  	_ =	shalt  }
0x87: {  	_ =	shalt  }
.Lfunc_end0:
.L_simem_size_0:
called_computation.1_lowered:
.L_overlay_start_0:
0x88: {  	s2 =	sld [smem:$0x3FD9]  }
0x89: {  	s3 =	sld [smem:$0x3FFE];
	_ =	sdelay $0x1  }
0x8a: {  	s1 =	srdreg.scid  }
0x8b: {  	s0 =	sand.u32 $0x1, s1  }
0x8c: {  	s17 =	sshll.u32 s0, $0xA;
	s2 =	sadd.s32 s3, s2  }
0x8d: {  	s2 =	sadd.s32 s2, s17  }
0x8e: {  	[smem:$0x3FBF] =	sst s2  }
0x8f: {  	_ = 	snop  }
0x90: {  	s2 =	sld [smem:$0x3FD0];
	(tm) =	ssettm $0x1  }
0x91: {  	s18 =	sld [smem:$0x3FFB];
	_ =	sdelay $0x3  }
0x92: {  	_ =	strace s18  }
0x93: {  	s3 =	sld [smem:$0x3FFC];
	_ =	sdelay $0x3  }
0x94: {  	_ =	strace s3  }
0x95: {  	s3 =	sld [smem:$0x3FFD];
	_ =	sdelay $0x3  }
0x96: {  	_ =	strace s3  }
0x97: {  	_ =	strace $0x8FFFFFFF  }
0x98: {  	s19 =	sld [smem:$0x3FDB];
	_ =	sdelay $0x1  }
0x99: {  	s4 =	simm.s32 $_scs_section_size  }
0x9a: {  	s5 =	simm.s32 $_size__tile_overlayer_lowered;
	s6 =	simm.s32 $_tile_overlayer_lowered  }
0x9b: {  	s22 =	simm.s32 $0x1BFF;
	s21 =	sshll.u32 s6, $0x1;
	s3 =	sadd.s32 s4, s19  }
0x9c: {  	s7 =	simm.s32 $0x0;
	s20 =	sshll.u32 s5, $0x1;
	s5 =	sadd.s32 s21, s3  }
0x9d: {  	[timem:s7], [sflag:s22] =	dma.local [hbm:s5], s20  }
0x9e: {  	_ =	swait.ge [sflag:s22], s20  }
0x9f: {  	s4 =	ssub.s32 $0x0, s20;
	[sflag:s22] =	ssyncset.done $0x0  }
0xa0: {  	[sflag:s22] =	ssyncadd.s32 s4;
	_ =	sdelay $0x1  }
0xa1: {  	s23 =	simm.s32 $0x1B8B  }
0xa2: {  	_ =	swait.ge [sflag:s23], $0x1  }
0xa3: {  	[sflag:s23] =	ssyncset.done $0x0  }
0xa4: {  	s25 =	simm.s32 $0x1B8E;
	s24 =	sld [smem:$0x3FFE];
	[sflag:s23] =	ssyncadd.s32 $0xFFFFFFFF  }
0xa5: {  	s26 =	simm.s32 $execute0_lowered;
	[smem:$0x3FD2] =	sst s25  }
0xa6: {  	s5 =	sshll.u32 s26, $0x1;
	_ =	strace $0x80000049;
	[dreg:$0x1] =	wrdreg $0xFFFFFFFF  }
0xa7: {  	s28 =	simm.s32 $_size_execute0_lowered;
	s3 =	sadd.s32 s3, s5;
	[dreg:$0x0] =	wrdreg $0x0  }
0xa8: {  	s5 =	sshll.u32 s28, $0x1;
	[dreg:$0x2] =	wrdreg s3  }
0xa9: {  	[dreg:$0x3] =	wrdreg s5  }
0xaa: {  	[dreg:$0x4] =	wrdreg $0xC0  }
0xab: {  	_ =	task [dreg:s7], $0x5FFFF  }
0xac: {  	[dreg:$0x1] =	wrdreg $0xFFFFFFFF  }
0xad: {  	[dreg:$0x0] =	wrdreg $0x60  }
0xae: {  	[dreg:$0x2] =	wrdreg s24  }
0xaf: {  	[dreg:$0x3] =	wrdreg s2  }
0xb0: {  	[dreg:$0x4] =	wrdreg $0x9  }
0xb1: {  	_ =	task.clear_ibuf [dreg:s7], $0x5FFFF;
	_ =	strace $0x90000049  }
0xb2: {  	s29 =	simm.s32 $0x9;
	_ =	strace $0x8000004B  }
0xb3: {  	_ =	swait.ge [sflag:s29], $0x1  }
0xb4: {  	[sflag:s29] =	ssyncadd.s32 $0xFFFFFFFF  }
0xb5: {  	_ =	strace $0x9000004B  }
0xb6: {  	_ =	sfence  }
0xb7: {  	s30 =	sld [smem:$0x0];
	_ =	sdelay $0x2  }
0xb8: {  	s31 =	sshll.u32 s1, $0xD;
	s1 =	sshrl.u32 s1, $0x2  }
0xb9: {  	s3 =	sand.u32 $0x4000, s31;
	s1 =	sadd.s32 s1, s30  }
0xba: {  	s0 =	sor.u32 s3, s0;
	s1 =	sshll.u32 s1, $0x11  }
0xbb: {  	s0 =	sor.u32 s1, s0  }
0xbc: {  	s0 =	sadd.s32 $0x8F2B, s0  }
0xbd: {  	[sflag:s0] =	ssyncadd.remote.s32 $0x1  }
0xbe: {  	_ =	sfence.sel $0xFFFF  }
0xbf: {  	[dreg:$0x0] =	wrdreg $0xFFFFFFFF;
	(pc) =	sbr.abs _section_cstart, $3  }
0xc0: {  	[dreg:$0x1] =	wrdreg $0xFFFFFFFF  }
0xc1: {  	_ =	task.clear_ibuf [dreg:s7], $0x2FFFF;
	_ =	strace $0x9FFFFFFF  }
0xc2: {  	(tm) =	ssettm $0x7FFFFFFF  }
0xc3: {  	_ =	shalt  }
tec
execute0_lowered:
.L_overlay_start_1:
0x0: {  	(tag) =	ssettag $0x1  }
0x1: {  	s0 =	rddreg [dreg:$0x0]  }
0x2: {  	s1 =	rddreg [dreg:$0x1]  }
0x3: {  	s2 =	srdreg.scid;
	s4 =	stileid.u32;
	s18 =	simm.s32 $0x1  }
0x4: {  	s20 =	simm.s32 $0x880;
	s21 =	simm.s32 $0x1080;
	s22 =	simm.s32 $0x1880  }
0x5: {  	s23 =	simm.s32 $0x2080;
	s28 =	simm.s32 $0x4080;
	s29 =	simm.s32 $0x4880  }
0x6: {  	s30 =	simm.s32 $0x5080;
	s31 =	simm.s32 $0x5880;
	s11 =	simm.s32 $0x7880  }
0x7: {  	s12 =	simm.s32 $0x8080;
	s13 =	simm.s32 $0x8880;
	s14 =	simm.s32 $0x9080  }
0x8: {  	s15 =	simm.s32 $0x9880;
	s16 =	simm.s32 $0xA080;
	s17 =	simm.s32 $0xA880  }
0x9: {  	s3 =	sand.u32 $0x1, s2;
	s2 =	simm.s32 $0x0;
	s4 =	sshll.u32 s4, $0x8  }
0xa: {  	s8 =	sadd.s32 $0x2800, s0;
	s5 =	sshll.u32 s3, $0x7;
	[smem:$0x7FF] =	sst s2  }
0xb: {  	s24 =	ssub.s32 $0x2, s3;
	s3 =	sadd.s32 $0xC2C00, s0;
	s5 =	sor.u32 s5, s4  }
0xc: {  	_ =	strace $0x8000004A;
	s7 =	sshrl.u32 s24, $0x1;
	s4 =	sadd.s32 $0xC2D00, s0  }
0xd: {  	s6 =	sshrl.u32 s5, $0x3;
	s7 =	ssub.s32 s24, s7;
	s25 =	sshll.u32 s5, $0x7  }
0xe: {  	s9 =	sor.u32 $0x40, s5;
	s5 =	sadd.s32 $0xC2E00, s0;
	s24 =	simm.s32 $0x2880  }
0xf: {  	s6 =	sadd.s32 s1, s6;
	s10 =	sshrl.u32 s9, $0x3;
	s9 =	sshll.u32 s9, $0x7  }
0x10: {  	s7 =	smax.u32 s7, $0x1;
	[dreg:$0x3] =	wrdreg s6;
	s6 =	sadd.s32 s8, s25  }
0x11: {  	s1 =	sadd.s32 s1, s10;
	s26 =	sadd.s32 s8, s9;
	s8 =	simm.s32 $0x2  }
0x12: {  	v2 =	vlaneseq.u32;
	s25 =	simm.s32 $0x3080;
	s10 =	simm.s32 $0x7080;
	[dreg:$0x4] =	wrdreg s6  }
0x13: {  	vm0 =	vmmov $0xffff;
	v1 =	vshrl.u32 v2, $0x3;
	s9 =	simm.s32 $0xB080;
	s6 =	sadd.s32 $0xC2F00, s0;
	[dreg:$0x5] =	wrdreg s1  }
0x14: {  	v0 =	vand.u32 $0x7, v2;
	v2 =	vor.u32 $0x8, v2;
	v1 =	vmul.u32 $0x8, v1;
	[dreg:$0x6] =	wrdreg s26;
	s0 =	simm.s32 $0x80;
	s26 =	simm.s32 $0x3880  }
.LBB2_1:
0x15: {  	s19 =	rddreg [dreg:$0x3]  }
0x16: {  	[tilespmem:s2], [sflag:$0x2] =	stream.linear.gather [hbm4b:s19+s2], $0x40, $0x38;
	[tilespmem:$0x10080] =	vst v63  }
0x17: {  	_ =	swait.ge [sflag:s8], $0x40  }
0x18: {  	[sflag:s8] =	ssyncset.done $0x0  }
0x19: {  	[sflag:s8] =	ssyncadd.s32 $0xFFFFFFC0  }
0x1a: {  	v3 =	vld [tilespmem:$0x0];
	_ =	sdelay $0x4  }
0x1b: {  	v4 =	vshll.u32 v3, $0x3  }
0x1c: {  	v3 =	vand.u32 $0x7, v3;
	v4 =	vand.u32 $0xFFFFFFC0, v4  }
0x1d: {  	v3 =	vor.u32 v3, v4  }
0x1e: {  	v4 =	vperm.xlane v3, v0;
	_ =	sdelay $0x1  }
0x1f: {  	v4 =	vadd.s32 v1, v4;
	_ =	sdelay $0x4  }
0x20: {  	[tilespmem:s0], [sflag:$0x1] =	stream.indirect_vreg.gather [hbm4b:s3+s2], $0x80, v4, vm0, $0xb8;
	[tilespmem:$0x10080] =	vst v63  }
0x21: {  	v3 =	vperm.xlane v3, v2  }
0x22: {  	[tilespmem:s20], [sflag:$0x1] =	stream.indirect_vreg.gather [hbm4b:s4+s2], $0x80, v4, vm0, $0xb8;
	[tilespmem:$0x10080] =	vst v63  }
0x23: {  	v3 =	vadd.s32 v1, v3  }
0x24: {  	[tilespmem:s21], [sflag:$0x1] =	stream.indirect_vreg.gather [hbm4b:s5+s2], $0x80, v4, vm0, $0xb8;
	[tilespmem:$0x10080] =	vst v63  }
0x25: {  	_ = 	snop  }
0x26: {  	[tilespmem:s22], [sflag:$0x1] =	stream.indirect_vreg.gather [hbm4b:s6+s2], $0x80, v4, vm0, $0xb8;
	[tilespmem:$0x10080] =	vst v63  }
0x27: {  	_ = 	snop  }
0x28: {  	[tilespmem:s23], [sflag:$0x1] =	stream.indirect_vreg.gather [hbm4b:s3+s2], $0x80, v3, vm0, $0xb8;
	[tilespmem:$0x10080] =	vst v63  }
0x29: {  	_ = 	snop  }
0x2a: {  	[tilespmem:s24], [sflag:$0x1] =	stream.indirect_vreg.gather [hbm4b:s4+s2], $0x80, v3, vm0, $0xb8;
	[tilespmem:$0x10080] =	vst v63  }
0x2b: {  	_ = 	snop  }
0x2c: {  	[tilespmem:s25], [sflag:$0x1] =	stream.indirect_vreg.gather [hbm4b:s5+s2], $0x80, v3, vm0, $0xb8;
	[tilespmem:$0x10080] =	vst v63  }
0x2d: {  	_ = 	snop  }
0x2e: {  	[tilespmem:s26], [sflag:$0x1] =	stream.indirect_vreg.gather [hbm4b:s6+s2], $0x80, v3, vm0, $0xb8;
	[tilespmem:$0x10080] =	vst v63  }
0x2f: {  	v3 =	vld [tilespmem:$0x10];
	_ =	sdelay $0x4  }
0x30: {  	v57 =	vshll.u32 v3, $0x3  }
0x31: {  	v3 =	vand.u32 $0x7, v3;
	v4 =	vand.u32 $0xFFFFFFC0, v57  }
0x32: {  	v3 =	vor.u32 v3, v4  }
0x33: {  	v4 =	vperm.xlane v3, v0;
	_ =	sdelay $0x1  }
0x34: {  	v4 =	vadd.s32 v1, v4;
	_ =	sdelay $0x4  }
0x35: {  	[tilespmem:s28], [sflag:$0x1] =	stream.indirect_vreg.gather [hbm4b:s3+s2], $0x80, v4, vm0, $0xb8;
	[tilespmem:$0x10080] =	vst v63  }
0x36: {  	v3 =	vperm.xlane v3, v2  }
0x37: {  	[tilespmem:s29], [sflag:$0x1] =	stream.indirect_vreg.gather [hbm4b:s4+s2], $0x80, v4, vm0, $0xb8;
	[tilespmem:$0x10080] =	vst v63  }
0x38: {  	v3 =	vadd.s32 v1, v3  }
0x39: {  	[tilespmem:s30], [sflag:$0x1] =	stream.indirect_vreg.gather [hbm4b:s5+s2], $0x80, v4, vm0, $0xb8;
	[tilespmem:$0x10080] =	vst v63  }
0x3a: {  	_ = 	snop  }
0x3b: {  	[tilespmem:s31], [sflag:$0x1] =	stream.indirect_vreg.gather [hbm4b:s6+s2], $0x80, v4, vm0, $0xb8;
	[tilespmem:$0x10080] =	vst v63  }
0x3c: {  	s1 =	simm.s32 $0x6080  }
0x3d: {  	[tilespmem:s1], [sflag:$0x1] =	stream.indirect_vreg.gather [hbm4b:s3+s2], $0x80, v3, vm0, $0xb8;
	[tilespmem:$0x10080] =	vst v63  }
0x3e: {  	s1 =	simm.s32 $0x6880  }
0x3f: {  	[tilespmem:s1], [sflag:$0x1] =	stream.indirect_vreg.gather [hbm4b:s4+s2], $0x80, v3, vm0, $0xb8;
	[tilespmem:$0x10080] =	vst v63  }
0x40: {  	_ = 	snop  }
0x41: {  	[tilespmem:s10], [sflag:$0x1] =	stream.indirect_vreg.gather [hbm4b:s5+s2], $0x80, v3, vm0, $0xb8;
	[tilespmem:$0x10080] =	vst v63  }
0x42: {  	_ = 	snop  }
0x43: {  	[tilespmem:s11], [sflag:$0x1] =	stream.indirect_vreg.gather [hbm4b:s6+s2], $0x80, v3, vm0, $0xb8;
	[tilespmem:$0x10080] =	vst v63  }
0x44: {  	v3 =	vld [tilespmem:$0x20];
	_ =	sdelay $0x4  }
0x45: {  	v58 =	vshll.u32 v3, $0x3  }
0x46: {  	v3 =	vand.u32 $0x7, v3;
	v4 =	vand.u32 $0xFFFFFFC0, v58  }
0x47: {  	v3 =	vor.u32 v3, v4  }
0x48: {  	v4 =	vperm.xlane v3, v0;
	_ =	sdelay $0x1  }
0x49: {  	v4 =	vadd.s32 v1, v4;
	_ =	sdelay $0x4  }
0x4a: {  	[tilespmem:s12], [sflag:$0x1] =	stream.indirect_vreg.gather [hbm4b:s3+s2], $0x80, v4, vm0, $0xb8;
	[tilespmem:$0x10080] =	vst v63  }
0x4b: {  	v3 =	vperm.xlane v3, v2  }
0x4c: {  	[tilespmem:s13], [sflag:$0x1] =	stream.indirect_vreg.gather [hbm4b:s4+s2], $0x80, v4, vm0, $0xb8;
	[tilespmem:$0x10080] =	vst v63  }
0x4d: {  	v3 =	vadd.s32 v1, v3  }
0x4e: {  	[tilespmem:s14], [sflag:$0x1] =	stream.indirect_vreg.gather [hbm4b:s5+s2], $0x80, v4, vm0, $0xb8;
	[tilespmem:$0x10080] =	vst v63  }
0x4f: {  	_ = 	snop  }
0x50: {  	[tilespmem:s15], [sflag:$0x1] =	stream.indirect_vreg.gather [hbm4b:s6+s2], $0x80, v4, vm0, $0xb8;
	[tilespmem:$0x10080] =	vst v63  }
0x51: {  	_ = 	snop  }
0x52: {  	[tilespmem:s16], [sflag:$0x1] =	stream.indirect_vreg.gather [hbm4b:s3+s2], $0x80, v3, vm0, $0xb8;
	[tilespmem:$0x10080] =	vst v63  }
0x53: {  	_ = 	snop  }
0x54: {  	[tilespmem:s17], [sflag:$0x1] =	stream.indirect_vreg.gather [hbm4b:s4+s2], $0x80, v3, vm0, $0xb8;
	[tilespmem:$0x10080] =	vst v63  }
0x55: {  	_ = 	snop  }
0x56: {  	[tilespmem:s9], [sflag:$0x1] =	stream.indirect_vreg.gather [hbm4b:s5+s2], $0x80, v3, vm0, $0xb8;
	[tilespmem:$0x10080] =	vst v63  }
0x57: {  	s19 =	simm.s32 $0xB880  }
0x58: {  	[tilespmem:s19], [sflag:$0x1] =	stream.indirect_vreg.gather [hbm4b:s6+s2], $0x80, v3, vm0, $0xb8;
	[tilespmem:$0x10080] =	vst v63  }
0x59: {  	v3 =	vld [tilespmem:$0x30];
	_ =	sdelay $0x4  }
0x5a: {  	v59 =	vshll.u32 v3, $0x3  }
0x5b: {  	v3 =	vand.u32 $0x7, v3;
	v4 =	vand.u32 $0xFFFFFFC0, v59  }
0x5c: {  	v3 =	vor.u32 v3, v4  }
0x5d: {  	v4 =	vperm.xlane v3, v0;
	_ =	sdelay $0x1  }
0x5e: {  	v4 =	vadd.s32 v1, v4;
	_ =	sdelay $0x3  }
0x5f: {  	s19 =	simm.s32 $0xC080  }
0x60: {  	[tilespmem:s19], [sflag:$0x1] =	stream.indirect_vreg.gather [hbm4b:s3+s2], $0x80, v4, vm0, $0xb8;
	[tilespmem:$0x10080] =	vst v63  }
0x61: {  	v3 =	vperm.xlane v3, v2;
	s19 =	simm.s32 $0xC880  }
0x62: {  	[tilespmem:s19], [sflag:$0x1] =	stream.indirect_vreg.gather [hbm4b:s4+s2], $0x80, v4, vm0, $0xb8;
	[tilespmem:$0x10080] =	vst v63  }
0x63: {  	v3 =	vadd.s32 v1, v3;
	s19 =	simm.s32 $0xD080  }
0x64: {  	[tilespmem:s19], [sflag:$0x1] =	stream.indirect_vreg.gather [hbm4b:s5+s2], $0x80, v4, vm0, $0xb8;
	[tilespmem:$0x10080] =	vst v63  }
0x65: {  	s19 =	simm.s32 $0xD880  }
0x66: {  	[tilespmem:s19], [sflag:$0x1] =	stream.indirect_vreg.gather [hbm4b:s6+s2], $0x80, v4, vm0, $0xb8;
	[tilespmem:$0x10080] =	vst v63  }
0x67: {  	s19 =	simm.s32 $0xE080  }
0x68: {  	[tilespmem:s19], [sflag:$0x1] =	stream.indirect_vreg.gather [hbm4b:s3+s2], $0x80, v3, vm0, $0xb8;
	[tilespmem:$0x10080] =	vst v63  }
0x69: {  	s19 =	simm.s32 $0xE880  }
0x6a: {  	[tilespmem:s19], [sflag:$0x1] =	stream.indirect_vreg.gather [hbm4b:s4+s2], $0x80, v3, vm0, $0xb8;
	[tilespmem:$0x10080] =	vst v63  }
0x6b: {  	s19 =	simm.s32 $0xF080  }
0x6c: {  	[tilespmem:s19], [sflag:$0x1] =	stream.indirect_vreg.gather [hbm4b:s5+s2], $0x80, v3, vm0, $0xb8;
	[tilespmem:$0x10080] =	vst v63  }
0x6d: {  	s19 =	simm.s32 $0xF880  }
0x6e: {  	[tilespmem:s19], [sflag:$0x1] =	stream.indirect_vreg.gather [hbm4b:s6+s2], $0x80, v3, vm0, $0xb8;
	[tilespmem:$0x10080] =	vst v63  }
0x6f: {  	_ =	swait.ge [sflag:s18], $0x10000  }
0x70: {  	[sflag:s18] =	ssyncset.done $0x0  }
0x71: {  	s19 =	rddreg [dreg:$0x4];
	[sflag:s18] =	ssyncadd.s32 $0xFFFF0000  }
0x72: {  	[hbm4b:s19+s2] =	stream.linear.scatter [tilespmem:s0], [sflag:$0x2], $0x10000, $0x38;
	[tilespmem:$0x10080] =	vst v63  }
0x73: {  	_ =	swait.ge [sflag:s8], $0x10000  }
0x74: {  	[sflag:s8] =	ssyncset.done $0x0  }
0x75: {  	s19 =	rddreg [dreg:$0x5];
	[sflag:s8] =	ssyncadd.s32 $0xFFFF0000  }
0x76: {  	[tilespmem:s2], [sflag:$0x2] =	stream.linear.gather [hbm4b:s19+s2], $0x40, $0x38;
	[tilespmem:$0x10080] =	vst v63  }
0x77: {  	_ =	swait.ge [sflag:s8], $0x40  }
0x78: {  	[sflag:s8] =	ssyncset.done $0x0  }
0x79: {  	[sflag:s8] =	ssyncadd.s32 $0xFFFFFFC0  }
0x7a: {  	v3 =	vld [tilespmem:$0x0];
	_ =	sdelay $0x4  }
0x7b: {  	v60 =	vshll.u32 v3, $0x3  }
0x7c: {  	v3 =	vand.u32 $0x7, v3;
	v4 =	vand.u32 $0xFFFFFFC0, v60  }
0x7d: {  	v3 =	vor.u32 v3, v4  }
0x7e: {  	v4 =	vperm.xlane v3, v0;
	_ =	sdelay $0x1  }
0x7f: {  	v4 =	vadd.s32 v1, v4;
	_ =	sdelay $0x4  }
0x80: {  	[tilespmem:s0], [sflag:$0x1] =	stream.indirect_vreg.gather [hbm4b:s3+s2], $0x80, v4, vm0, $0xb8;
	[tilespmem:$0x10080] =	vst v63  }
0x81: {  	v3 =	vperm.xlane v3, v2  }
0x82: {  	[tilespmem:s20], [sflag:$0x1] =	stream.indirect_vreg.gather [hbm4b:s4+s2], $0x80, v4, vm0, $0xb8;
	[tilespmem:$0x10080] =	vst v63  }
0x83: {  	v3 =	vadd.s32 v1, v3  }
0x84: {  	[tilespmem:s21], [sflag:$0x1] =	stream.indirect_vreg.gather [hbm4b:s5+s2], $0x80, v4, vm0, $0xb8;
	[tilespmem:$0x10080] =	vst v63  }
0x85: {  	_ = 	snop  }
0x86: {  	[tilespmem:s22], [sflag:$0x1] =	stream.indirect_vreg.gather [hbm4b:s6+s2], $0x80, v4, vm0, $0xb8;
	[tilespmem:$0x10080] =	vst v63  }
0x87: {  	_ = 	snop  }
0x88: {  	[tilespmem:s23], [sflag:$0x1] =	stream.indirect_vreg.gather [hbm4b:s3+s2], $0x80, v3, vm0, $0xb8;
	[tilespmem:$0x10080] =	vst v63  }
0x89: {  	_ = 	snop  }
0x8a: {  	[tilespmem:s24], [sflag:$0x1] =	stream.indirect_vreg.gather [hbm4b:s4+s2], $0x80, v3, vm0, $0xb8;
	[tilespmem:$0x10080] =	vst v63  }
0x8b: {  	_ = 	snop  }
0x8c: {  	[tilespmem:s25], [sflag:$0x1] =	stream.indirect_vreg.gather [hbm4b:s5+s2], $0x80, v3, vm0, $0xb8;
	[tilespmem:$0x10080] =	vst v63  }
0x8d: {  	_ = 	snop  }
0x8e: {  	[tilespmem:s26], [sflag:$0x1] =	stream.indirect_vreg.gather [hbm4b:s6+s2], $0x80, v3, vm0, $0xb8;
	[tilespmem:$0x10080] =	vst v63  }
0x8f: {  	v3 =	vld [tilespmem:$0x10];
	_ =	sdelay $0x4  }
0x90: {  	v61 =	vshll.u32 v3, $0x3  }
0x91: {  	v3 =	vand.u32 $0x7, v3;
	v4 =	vand.u32 $0xFFFFFFC0, v61  }
0x92: {  	v3 =	vor.u32 v3, v4  }
0x93: {  	v4 =	vperm.xlane v3, v0;
	_ =	sdelay $0x1  }
0x94: {  	v4 =	vadd.s32 v1, v4;
	_ =	sdelay $0x4  }
0x95: {  	[tilespmem:s28], [sflag:$0x1] =	stream.indirect_vreg.gather [hbm4b:s3+s2], $0x80, v4, vm0, $0xb8;
	[tilespmem:$0x10080] =	vst v63  }
0x96: {  	v3 =	vperm.xlane v3, v2  }
0x97: {  	[tilespmem:s29], [sflag:$0x1] =	stream.indirect_vreg.gather [hbm4b:s4+s2], $0x80, v4, vm0, $0xb8;
	[tilespmem:$0x10080] =	vst v63  }
0x98: {  	v3 =	vadd.s32 v1, v3  }
0x99: {  	[tilespmem:s30], [sflag:$0x1] =	stream.indirect_vreg.gather [hbm4b:s5+s2], $0x80, v4, vm0, $0xb8;
	[tilespmem:$0x10080] =	vst v63  }
0x9a: {  	_ = 	snop  }
0x9b: {  	[tilespmem:s31], [sflag:$0x1] =	stream.indirect_vreg.gather [hbm4b:s6+s2], $0x80, v4, vm0, $0xb8;
	[tilespmem:$0x10080] =	vst v63  }
0x9c: {  	s19 =	simm.s32 $0x6080  }
0x9d: {  	[tilespmem:s19], [sflag:$0x1] =	stream.indirect_vreg.gather [hbm4b:s3+s2], $0x80, v3, vm0, $0xb8;
	[tilespmem:$0x10080] =	vst v63  }
0x9e: {  	_ = 	snop  }
0x9f: {  	[tilespmem:s1], [sflag:$0x1] =	stream.indirect_vreg.gather [hbm4b:s4+s2], $0x80, v3, vm0, $0xb8;
	[tilespmem:$0x10080] =	vst v63  }
0xa0: {  	_ = 	snop  }
0xa1: {  	[tilespmem:s10], [sflag:$0x1] =	stream.indirect_vreg.gather [hbm4b:s5+s2], $0x80, v3, vm0, $0xb8;
	[tilespmem:$0x10080] =	vst v63  }
0xa2: {  	_ = 	snop  }
0xa3: {  	[tilespmem:s11], [sflag:$0x1] =	stream.indirect_vreg.gather [hbm4b:s6+s2], $0x80, v3, vm0, $0xb8;
	[tilespmem:$0x10080] =	vst v63  }
0xa4: {  	v3 =	vld [tilespmem:$0x20];
	_ =	sdelay $0x4  }
0xa5: {  	v62 =	vshll.u32 v3, $0x3  }
0xa6: {  	v3 =	vand.u32 $0x7, v3;
	v4 =	vand.u32 $0xFFFFFFC0, v62  }
0xa7: {  	v3 =	vor.u32 v3, v4  }
0xa8: {  	v4 =	vperm.xlane v3, v0;
	_ =	sdelay $0x1  }
0xa9: {  	v4 =	vadd.s32 v1, v4;
	_ =	sdelay $0x4  }
0xaa: {  	[tilespmem:s12], [sflag:$0x1] =	stream.indirect_vreg.gather [hbm4b:s3+s2], $0x80, v4, vm0, $0xb8;
	[tilespmem:$0x10080] =	vst v63  }
0xab: {  	v3 =	vperm.xlane v3, v2  }
0xac: {  	[tilespmem:s13], [sflag:$0x1] =	stream.indirect_vreg.gather [hbm4b:s4+s2], $0x80, v4, vm0, $0xb8;
	[tilespmem:$0x10080] =	vst v63  }
0xad: {  	v3 =	vadd.s32 v1, v3  }
0xae: {  	[tilespmem:s14], [sflag:$0x1] =	stream.indirect_vreg.gather [hbm4b:s5+s2], $0x80, v4, vm0, $0xb8;
	[tilespmem:$0x10080] =	vst v63  }
0xaf: {  	_ = 	snop  }
0xb0: {  	[tilespmem:s15], [sflag:$0x1] =	stream.indirect_vreg.gather [hbm4b:s6+s2], $0x80, v4, vm0, $0xb8;
	[tilespmem:$0x10080] =	vst v63  }
0xb1: {  	_ = 	snop  }
0xb2: {  	[tilespmem:s16], [sflag:$0x1] =	stream.indirect_vreg.gather [hbm4b:s3+s2], $0x80, v3, vm0, $0xb8;
	[tilespmem:$0x10080] =	vst v63  }
0xb3: {  	_ = 	snop  }
0xb4: {  	[tilespmem:s17], [sflag:$0x1] =	stream.indirect_vreg.gather [hbm4b:s4+s2], $0x80, v3, vm0, $0xb8;
	[tilespmem:$0x10080] =	vst v63  }
0xb5: {  	_ = 	snop  }
0xb6: {  	[tilespmem:s9], [sflag:$0x1] =	stream.indirect_vreg.gather [hbm4b:s5+s2], $0x80, v3, vm0, $0xb8;
	[tilespmem:$0x10080] =	vst v63  }
0xb7: {  	s19 =	simm.s32 $0xB880  }
0xb8: {  	[tilespmem:s19], [sflag:$0x1] =	stream.indirect_vreg.gather [hbm4b:s6+s2], $0x80, v3, vm0, $0xb8;
	[tilespmem:$0x10080] =	vst v63  }
0xb9: {  	v3 =	vld [tilespmem:$0x30];
	_ =	sdelay $0x4  }
0xba: {  	v63 =	vshll.u32 v3, $0x3  }
0xbb: {  	v3 =	vand.u32 $0x7, v3;
	v4 =	vand.u32 $0xFFFFFFC0, v63  }
0xbc: {  	v3 =	vor.u32 v3, v4  }
0xbd: {  	v4 =	vperm.xlane v3, v0;
	_ =	sdelay $0x1  }
0xbe: {  	v4 =	vadd.s32 v1, v4;
	_ =	sdelay $0x3  }
0xbf: {  	s19 =	simm.s32 $0xC080  }
0xc0: {  	[tilespmem:s19], [sflag:$0x1] =	stream.indirect_vreg.gather [hbm4b:s3+s2], $0x80, v4, vm0, $0xb8;
	[tilespmem:$0x10080] =	vst v63  }
0xc1: {  	v3 =	vperm.xlane v3, v2;
	s19 =	simm.s32 $0xC880  }
0xc2: {  	[tilespmem:s19], [sflag:$0x1] =	stream.indirect_vreg.gather [hbm4b:s4+s2], $0x80, v4, vm0, $0xb8;
	[tilespmem:$0x10080] =	vst v63  }
0xc3: {  	v3 =	vadd.s32 v1, v3;
	s19 =	simm.s32 $0xD080  }
0xc4: {  	[tilespmem:s19], [sflag:$0x1] =	stream.indirect_vreg.gather [hbm4b:s5+s2], $0x80, v4, vm0, $0xb8;
	[tilespmem:$0x10080] =	vst v63  }
0xc5: {  	s19 =	simm.s32 $0xD880  }
0xc6: {  	[tilespmem:s19], [sflag:$0x1] =	stream.indirect_vreg.gather [hbm4b:s6+s2], $0x80, v4, vm0, $0xb8;
	[tilespmem:$0x10080] =	vst v63  }
0xc7: {  	s19 =	simm.s32 $0xE080  }
0xc8: {  	[tilespmem:s19], [sflag:$0x1] =	stream.indirect_vreg.gather [hbm4b:s3+s2], $0x80, v3, vm0, $0xb8;
	[tilespmem:$0x10080] =	vst v63  }
0xc9: {  	s19 =	simm.s32 $0xE880  }
0xca: {  	[tilespmem:s19], [sflag:$0x1] =	stream.indirect_vreg.gather [hbm4b:s4+s2], $0x80, v3, vm0, $0xb8;
	[tilespmem:$0x10080] =	vst v63  }
0xcb: {  	s19 =	simm.s32 $0xF080  }
0xcc: {  	[tilespmem:s19], [sflag:$0x1] =	stream.indirect_vreg.gather [hbm4b:s5+s2], $0x80, v3, vm0, $0xb8;
	[tilespmem:$0x10080] =	vst v63  }
0xcd: {  	s19 =	simm.s32 $0xF880  }
0xce: {  	[tilespmem:s19], [sflag:$0x1] =	stream.indirect_vreg.gather [hbm4b:s6+s2], $0x80, v3, vm0, $0xb8;
	[tilespmem:$0x10080] =	vst v63  }
0xcf: {  	_ =	swait.ge [sflag:s18], $0x10000  }
0xd0: {  	p0 =	sne.s32 s7, $0x1;
	[sflag:s18] =	ssyncset.done $0x0  }
.Ltmp0:
0xd1: {  	s1 =	rddreg [dreg:$0x6];
	[sflag:s18] =	ssyncadd.s32 $0xFFFF0000;
	(pc) =	sbr.rel @p0 .LBB2_1-.Ltmp0, $4  }
0xd2: {  	[hbm4b:s1+s2] =	stream.linear.scatter [tilespmem:s0], [sflag:$0x2], $0x10000, $0x38;
	[tilespmem:$0x10080] =	vst v63  }
0xd3: {  	_ =	swait.ge [sflag:s8], $0x10000  }
0xd4: {  	[sflag:s8] =	ssyncset.done $0x0  }
0xd5: {  	s7 =	sadd.s32 $0xFFFFFFFF, s7;
	[sflag:s8] =	ssyncadd.s32 $0xFFFF0000  }
0xd6: {  	_ =	sfence.sel $0x180000  }
0xd7: {  	[bflag:$0x0] =	sbarrier.arrive $0xFFFF  }
0xd8: {  	_ =	strace $0x9000004A  }
0xd9: {  	s0 =	stileid.u32;
	[bflag:$0x2] =	sbarrier.arrive $0xFFFF  }
0xda: {  	p0 =	sne.s32 s0, $0x0;
	s0 =	rddreg [dreg:$0x2]  }
0xdb: {  	s0 =	sadd.s32 @!p0 $0x100000, s0  }
0xdc: {  	[sflag:s0] =	ssyncadd.tile.s32 @!p0 $0x1;
	_ =	shalt  }
.Lfunc_end2:
_tile_overlayer_lowered:
.L_overlay_start_2:
0xdd: {  	(tag) =	ssettag $0x2  }
0xde: {  	s0 =	rddreg [dreg:$0x0];
	s2 =	stileid.u32  }
0xdf: {  	s1 =	rddreg [dreg:$0x1];
	p0 =	sne.s32 s2, $0x0  }
0xe0: {  	s3 =	rddreg [dreg:$0x2];
	[bflag:$0x3] =	sbarrier.arrive $0xFFFF;
	s2 =	simm.s32 @!p0 $0x1C02  }
0xe1: {  	[timem:s3], [sflag:s2] =	dma.local @!p0 [hbm:s0], s1  }
0xe2: {  	s0 =	simm.s32 @!p0 $0x2  }
0xe3: {  	_ =	swait.ge @!p0 [sflag:s0], s1  }
0xe4: {  	s1 =	ssub.s32 @!p0 $0x0, s1;
	[sflag:s0] =	ssyncset.done @!p0 $0x0  }
0xe5: {  	[sflag:s0] =	ssyncadd.s32 @!p0 s1  }
0xe6: {  	[bflag:$0x3] =	sbarrier.arrive $0xFFFF  }
0xe7: {  	_ =	shalt  }

// kernel: kernel.9.cloned.1.call-start
scs
__scs_entry_jumppad:
0x0: {  	(pc) =	sbr.rel $0x88, $3  }
0x1: {  	(tag) =	ssettag $0x0;
	lr =	simm.s32 $0x1  }
0x2: {  	[smem:$0x3F98] =	sst lr;
	_ =	strace $0xD0000000  }
0x3: {  	_ = 	snop  }
0x4: {  	_ = 	snop  }
0x5: {  	_ = 	snop  }
0x6: {  	_ = 	snop  }
0x7: {  	_ = 	snop  }
__scs_overlays_trampoline_lowered:
0x8: {  	[smem:$0x3FA7] =	sst s0  }
0x9: {  	[smem:$0x3FA8] =	sst s1  }
0xa: {  	[smem:$0x3FA9] =	sst s2  }
0xb: {  	[smem:$0x3FAA] =	sst s3  }
0xc: {  	[smem:$0x3FAB] =	sst s4  }
0xd: {  	[smem:$0x3FAC] =	sst s5  }
0xe: {  	[smem:$0x3FAD] =	sst s6  }
0xf: {  	[smem:$0x3FAE] =	sst s7  }
0x10: {  	[smem:$0x3FAF] =	sst s8  }
0x11: {  	[smem:$0x3FB0] =	sst s9;
	s0 =	simm.s32 @!p0 $0x0  }
0x12: {  	s1 =	sld [smem:$0x3F96];
	s0 =	simm.s32 @p0 $0x1  }
0x13: {  	[smem:$0x3FB1] =	sst s0;
	s0 =	simm.s32 @!p1 $0x0  }
0x14: {  	s2 =	sld [smem:$0x3F95];
	s0 =	simm.s32 @p1 $0x1  }
0x15: {  	[smem:$0x3FB2] =	sst s0;
	s0 =	simm.s32 @!p2 $0x0  }
0x16: {  	s3 =	sld [smem:$0x3FDB];
	s0 =	simm.s32 @p2 $0x1  }
0x17: {  	s4 =	simm.s32 $0x1BF5;
	[smem:$0x3FB4] =	sst s0  }
0x18: {  	s0 =	sld [smem:$0x3F97];
	_ =	swait.ge [sflag:s4], $0x0  }
0x19: {  	s7 =	sld [smem:$0x3F98]  }
0x1a: {  	s8 =	sadd.s32 $0xFFFFE003, lr  }
0x1b: {  	s9 =	sadd.s32 $0xFFFFFEF7, lr;
	s5 =	simm.s32 $0xFFFFFFFF;
	p2 =	slt.u32 s8, $0xFFFFF086  }
0x1c: {  	p1 =	slt.u32 s9, $0xF7A;
	s5 =	simm.s32 @!p2 $0x0  }
0x1d: {  	s5 =	simm.s32 @p1 $0x1;
	p0 =	seq.s32 s7, s2  }
0x1e: {  	s7 =	smul.u32 @!p0 $0xF7A, s2;
	p2 =	seq.s32 @!p0 s5, $0x0  }
0x1f: {  	s9 =	smul.u32 $0xF7A, s1;
	s8 =	simm.s32 @!p0 $0x1BF5;
	p2 =	por !p2, p0  }
0x20: {  	[sflag:s8] =	ssyncset.s32 @!p0 $0xFFFFF086;
	s6 =	sadd.s32 @!p0 s3, s7;
	s7 =	simm.s32 @!p0 $0x108  }
0x21: {  	s3 =	sadd.s32 s3, s9;
	s6 =	sadd.s32 @!p0 $0x88, s6;
	s7 =	simm.s32 @p2 $0x1082  }
0x22: {  	[simem:s7], [sflag:s8] =	dma.local @!p0 [hbm:s6], $0xF7A  }
0x23: {  	s9 =	sor.u32 $0xD0000000, s2;
	s6 =	simm.s32 $0x108;
	_ =	swait.ge @!p0 [sflag:s8], $0x0  }
0x24: {  	s3 =	sadd.s32 $0x88, s3;
	s6 =	simm.s32 @!p1 $0x1082;
	[sflag:s4] =	ssyncset.s32 $0xFFFFF086  }
0x25: {  	[simem:s6], [sflag:s4] =	dma.local [hbm:s3], $0xF7A  }
0x26: {  	[smem:$0x3F98] =	sst s1;
	(tag) =	ssettag s2;
	_ =	strace s9  }
0x27: {  	s1 =	sld [smem:$0x3FA8]  }
0x28: {  	s2 =	sld [smem:$0x3FA9]  }
0x29: {  	s4 =	sld [smem:$0x3FAB]  }
0x2a: {  	p0 =	seq.s32 s5, $0x0;
	s5 =	sld [smem:$0x3FAC]  }
0x2b: {  	s6 =	sld [smem:$0x3FAD]  }
0x2c: {  	s7 =	sld [smem:$0x3FAE]  }
0x2d: {  	s3 =	simm.s32 $0x108;
	s8 =	sld [smem:$0x3FAF]  }
0x2e: {  	s3 =	simm.s32 @!p0 $0x1082;
	s9 =	sld [smem:$0x3FB0]  }
0x2f: {  	lr =	sadd.s32 s0, s3;
	s0 =	sld [smem:$0x3FA7]  }
0x30: {  	s3 =	sld [smem:$0x3FAA]  }
0x31: {  	[smem:$0x3FB3] =	sst s10  }
0x32: {  	s10 =	sld [smem:$0x3FB1];
	_ =	sdelay $0x3  }
0x33: {  	p0 =	seq.s32 s10, $0x1;
	s10 =	sld [smem:$0x3FB3];
	_ =	sdelay $0x3  }
0x34: {  	[smem:$0x3FB3] =	sst s10  }
0x35: {  	s10 =	sld [smem:$0x3FB2];
	_ =	sdelay $0x3  }
0x36: {  	p1 =	seq.s32 s10, $0x1;
	s10 =	sld [smem:$0x3FB3];
	_ =	sdelay $0x3  }
0x37: {  	[smem:$0x3FB3] =	sst s10  }
0x38: {  	s10 =	sld [smem:$0x3FB4]  }
0x39: {  	_ = 	snop;
	(pc) =	sbr.ind lr, $3  }
0x3a: {  	_ = 	snop  }
0x3b: {  	_ = 	snop  }
0x3c: {  	p2 =	seq.s32 s10, $0x1;
	s10 =	sld [smem:$0x3FB3]  }
0x3d: {  	_ =	shalt  }
0x3e: {  	_ =	shalt  }
0x3f: {  	_ =	shalt  }
0x40: {  	_ =	shalt  }
0x41: {  	_ =	shalt  }
0x42: {  	_ =	shalt  }
0x43: {  	_ =	shalt  }
0x44: {  	_ =	shalt  }
0x45: {  	_ =	shalt  }
0x46: {  	_ =	shalt  }
0x47: {  	_ =	shalt  }
0x48: {  	_ =	shalt  }
0x49: {  	_ =	shalt  }
0x4a: {  	_ =	shalt  }
0x4b: {  	_ =	shalt  }
0x4c: {  	_ =	shalt  }
0x4d: {  	_ =	shalt  }
0x4e: {  	_ =	shalt  }
0x4f: {  	_ =	shalt  }
0x50: {  	_ =	shalt  }
0x51: {  	_ =	shalt  }
0x52: {  	_ =	shalt  }
0x53: {  	_ =	shalt  }
0x54: {  	_ =	shalt  }
0x55: {  	_ =	shalt  }
0x56: {  	_ =	shalt  }
0x57: {  	_ =	shalt  }
0x58: {  	_ =	shalt  }
0x59: {  	_ =	shalt  }
0x5a: {  	_ =	shalt  }
0x5b: {  	_ =	shalt  }
0x5c: {  	_ =	shalt  }
0x5d: {  	_ =	shalt  }
0x5e: {  	_ =	shalt  }
0x5f: {  	_ =	shalt  }
0x60: {  	_ =	shalt  }
0x61: {  	_ =	shalt  }
0x62: {  	_ =	shalt  }
0x63: {  	_ =	shalt  }
0x64: {  	_ =	shalt  }
0x65: {  	_ =	shalt  }
0x66: {  	_ =	shalt  }
0x67: {  	_ =	shalt  }
0x68: {  	_ =	shalt  }
0x69: {  	_ =	shalt  }
0x6a: {  	_ =	shalt  }
0x6b: {  	_ =	shalt  }
0x6c: {  	_ =	shalt  }
0x6d: {  	_ =	shalt  }
0x6e: {  	_ =	shalt  }
0x6f: {  	_ =	shalt  }
0x70: {  	_ =	shalt  }
0x71: {  	_ =	shalt  }
0x72: {  	_ =	shalt  }
0x73: {  	_ =	shalt  }
0x74: {  	_ =	shalt  }
0x75: {  	_ =	shalt  }
0x76: {  	_ =	shalt  }
0x77: {  	_ =	shalt  }
0x78: {  	_ =	shalt  }
0x79: {  	_ =	shalt  }
0x7a: {  	_ =	shalt  }
0x7b: {  	_ =	shalt  }
0x7c: {  	_ =	shalt  }
0x7d: {  	_ =	shalt  }
0x7e: {  	_ =	shalt  }
0x7f: {  	_ =	shalt  }
0x80: {  	_ =	shalt  }
0x81: {  	_ =	shalt  }
0x82: {  	_ =	shalt  }
0x83: {  	_ =	shalt  }
0x84: {  	_ =	shalt  }
0x85: {  	_ =	shalt  }
0x86: {  	_ =	shalt  }
0x87: {  	_ =	shalt  }
.Lfunc_end0:
.L_simem_size_0:
called_computation_lowered:
.L_overlay_start_0:
0x88: {  	s2 =	sld [smem:$0x3FD9]  }
0x89: {  	s3 =	sld [smem:$0x3FFE];
	_ =	sdelay $0x1  }
0x8a: {  	s1 =	srdreg.scid  }
0x8b: {  	s0 =	sand.u32 $0x1, s1  }
0x8c: {  	s17 =	sshll.u32 s0, $0xA;
	s2 =	sadd.s32 s3, s2  }
0x8d: {  	s2 =	sadd.s32 s2, s17  }
0x8e: {  	[smem:$0x3FBF] =	sst s2  }
0x8f: {  	_ = 	snop  }
0x90: {  	s2 =	sld [smem:$0x3FC9];
	(tm) =	ssettm $0x1  }
0x91: {  	s18 =	sld [smem:$0x3FFB];
	_ =	sdelay $0x3  }
0x92: {  	_ =	strace s18  }
0x93: {  	s3 =	sld [smem:$0x3FFC];
	_ =	sdelay $0x3  }
0x94: {  	_ =	strace s3  }
0x95: {  	s3 =	sld [smem:$0x3FFD];
	_ =	sdelay $0x3  }
0x96: {  	_ =	strace s3  }
0x97: {  	_ =	strace $0x8FFFFFFF  }
0x98: {  	s19 =	sld [smem:$0x3FDB];
	_ =	sdelay $0x1  }
0x99: {  	s4 =	simm.s32 $_scs_section_size  }
0x9a: {  	s5 =	simm.s32 $_size__tile_overlayer_lowered;
	s6 =	simm.s32 $_tile_overlayer_lowered  }
0x9b: {  	s22 =	simm.s32 $0x1BFF;
	s21 =	sshll.u32 s6, $0x1;
	s3 =	sadd.s32 s4, s19  }
0x9c: {  	s7 =	simm.s32 $0x0;
	s20 =	sshll.u32 s5, $0x1;
	s5 =	sadd.s32 s21, s3  }
0x9d: {  	[timem:s7], [sflag:s22] =	dma.local [hbm:s5], s20  }
0x9e: {  	_ =	swait.ge [sflag:s22], s20  }
0x9f: {  	s4 =	ssub.s32 $0x0, s20;
	[sflag:s22] =	ssyncset.done $0x0  }
0xa0: {  	[sflag:s22] =	ssyncadd.s32 s4;
	_ =	sdelay $0x1  }
0xa1: {  	s23 =	simm.s32 $0x1B8B  }
0xa2: {  	_ =	swait.ge [sflag:s23], $0x1  }
0xa3: {  	[sflag:s23] =	ssyncset.done $0x0  }
0xa4: {  	s25 =	simm.s32 $0x1B8E;
	s24 =	sld [smem:$0x3FFE];
	[sflag:s23] =	ssyncadd.s32 $0xFFFFFFFF  }
0xa5: {  	s26 =	simm.s32 $execute0_lowered;
	[smem:$0x3FD2] =	sst s25  }
0xa6: {  	s5 =	sshll.u32 s26, $0x1;
	_ =	strace $0x80000046;
	[dreg:$0x1] =	wrdreg $0xFFFFFFFF  }
0xa7: {  	s28 =	simm.s32 $_size_execute0_lowered;
	s3 =	sadd.s32 s3, s5;
	[dreg:$0x0] =	wrdreg $0x0  }
0xa8: {  	s5 =	sshll.u32 s28, $0x1;
	[dreg:$0x2] =	wrdreg s3  }
0xa9: {  	[dreg:$0x3] =	wrdreg s5  }
0xaa: {  	[dreg:$0x4] =	wrdreg $0xC0  }
0xab: {  	_ =	task [dreg:s7], $0x5FFFF  }
0xac: {  	[dreg:$0x1] =	wrdreg $0xFFFFFFFF  }
0xad: {  	[dreg:$0x0] =	wrdreg $0x60  }
0xae: {  	[dreg:$0x2] =	wrdreg s2  }
0xaf: {  	[dreg:$0x3] =	wrdreg s24  }
0xb0: {  	[dreg:$0x4] =	wrdreg $0x9  }
0xb1: {  	_ =	task.clear_ibuf [dreg:s7], $0x5FFFF;
	_ =	strace $0x90000046  }
0xb2: {  	s29 =	simm.s32 $0x9;
	_ =	strace $0x80000048  }
0xb3: {  	_ =	swait.ge [sflag:s29], $0x1  }
0xb4: {  	[sflag:s29] =	ssyncadd.s32 $0xFFFFFFFF  }
0xb5: {  	_ =	strace $0x90000048  }
0xb6: {  	_ =	sfence  }
0xb7: {  	s30 =	sld [smem:$0x0];
	_ =	sdelay $0x2  }
0xb8: {  	s31 =	sshll.u32 s1, $0xD;
	s1 =	sshrl.u32 s1, $0x2  }
0xb9: {  	s3 =	sand.u32 $0x4000, s31;
	s1 =	sadd.s32 s1, s30  }
0xba: {  	s0 =	sor.u32 s3, s0;
	s1 =	sshll.u32 s1, $0x11  }
0xbb: {  	s0 =	sor.u32 s1, s0  }
0xbc: {  	s0 =	sadd.s32 $0x8F2B, s0  }
0xbd: {  	[sflag:s0] =	ssyncadd.remote.s32 $0x1  }
0xbe: {  	_ =	sfence.sel $0xFFFF  }
0xbf: {  	[dreg:$0x0] =	wrdreg $0xFFFFFFFF;
	(pc) =	sbr.abs _section_cstart, $3  }
0xc0: {  	[dreg:$0x1] =	wrdreg $0xFFFFFFFF  }
0xc1: {  	_ =	task.clear_ibuf [dreg:s7], $0x2FFFF;
	_ =	strace $0x9FFFFFFF  }
0xc2: {  	(tm) =	ssettm $0x7FFFFFFF  }
0xc3: {  	_ =	shalt  }
tec
execute0_lowered:
.L_overlay_start_1:
0x0: {  	(tag) =	ssettag $0x1  }
0x1: {  	s0 =	srdreg.scid  }
0x2: {  	s1 =	rddreg [dreg:$0x0];
	s2 =	stileid.u32  }
0x3: {  	s6 =	rddreg [dreg:$0x1];
	s26 =	simm.s32 $0x80;
	s11 =	simm.s32 $0x2  }
0x4: {  	s28 =	simm.s32 $0x3100;
	s29 =	simm.s32 $0x3900;
	s30 =	simm.s32 $0x4100  }
0x5: {  	s31 =	simm.s32 $0x4900;
	s12 =	simm.s32 $0x6100;
	s13 =	simm.s32 $0x6900  }
0x6: {  	s14 =	simm.s32 $0x7100;
	s15 =	simm.s32 $0x7900;
	s16 =	simm.s32 $0x8100  }
0x7: {  	s17 =	simm.s32 $0x8900;
	s18 =	simm.s32 $0x9100;
	s19 =	simm.s32 $0x9900  }
0x8: {  	s20 =	simm.s32 $0xA100;
	s21 =	simm.s32 $0xA900;
	s10 =	simm.s32 $0xB900  }
0x9: {  	s0 =	sand.u32 $0x1, s0;
	s3 =	sshll.u32 s2, $0x7;
	s2 =	simm.s32 $0x0  }
0xa: {  	s4 =	sshll.u32 s0, $0x6;
	[smem:$0x7FF] =	sst s2;
	s0 =	ssub.s32 $0x2, s0  }
0xb: {  	s3 =	sor.u32 s4, s3;
	_ =	strace $0x80000047;
	s23 =	sshrl.u32 s0, $0x1  }
0xc: {  	[dreg:$0x6] =	wrdreg s26;
	s26 =	simm.s32 $0x2900;
	s4 =	sshrl.u32 s3, $0x3  }
0xd: {  	s5 =	sshll.u32 s3, $0x7;
	s3 =	sadd.s32 $0x2C00, s6;
	s0 =	ssub.s32 s0, s23  }
0xe: {  	s4 =	sadd.s32 s4, s6;
	s1 =	sadd.s32 s1, s5;
	s5 =	sadd.s32 $0x2E00, s6  }
0xf: {  	v2 =	vlaneseq.u32;
	s7 =	smax.u32 s0, $0x1;
	[dreg:$0x3] =	wrdreg s1;
	s24 =	sadd.s32 $0x2800, s4  }
0x10: {  	vm0 =	vmmov $0xffff;
	v1 =	vshrl.u32 v2, $0x3;
	s25 =	sadd.s32 $0x2A00, s4;
	s4 =	sadd.s32 $0x2D00, s6;
	[dreg:$0x4] =	wrdreg s24  }
0x11: {  	v0 =	vand.u32 $0x7, v2;
	v2 =	vor.u32 $0x8, v2;
	v1 =	vmul.u32 $0x8, v1;
	s6 =	sadd.s32 $0x2F00, s6;
	[dreg:$0x5] =	wrdreg s25;
	s25 =	simm.s32 $0x2100  }
.LBB2_1:
0x12: {  	s22 =	rddreg [dreg:$0x3]  }
0x13: {  	s9 =	simm.s32 $0x100;
	s8 =	rddreg [dreg:$0x4]  }
0x14: {  	[tilespmem:s9], [sflag:$0x1] =	stream.linear.gather [hbm4b:s22+s2], $0x10000, $0x38;
	[tilespmem:$0x10100] =	vst v63  }
0x15: {  	s23 =	rddreg [dreg:$0x5]  }
0x16: {  	[tilespmem:s2], [sflag:$0x2] =	stream.linear.gather [hbm4b:s8+s2], $0x40, $0x38;
	[tilespmem:$0x10100] =	vst v63  }
0x17: {  	s24 =	rddreg [dreg:$0x6];
	s0 =	simm.s32 $0x1  }
0x18: {  	[tilespmem:s24], [sflag:$0x3] =	stream.linear.gather [hbm4b:s23+s2], $0x40, $0x38;
	[tilespmem:$0x10100] =	vst v63  }
0x19: {  	_ =	swait.ge [sflag:s0], $0x10000  }
0x1a: {  	[sflag:s0] =	ssyncset.done $0x0  }
0x1b: {  	[sflag:s0] =	ssyncadd.s32 $0xFFFF0000  }
0x1c: {  	_ =	swait.ge [sflag:s11], $0x40  }
0x1d: {  	[sflag:s11] =	ssyncset.done $0x0  }
0x1e: {  	s0 =	simm.s32 $0x3;
	[sflag:s11] =	ssyncadd.s32 $0xFFFFFFC0  }
0x1f: {  	_ =	swait.ge [sflag:s0], $0x40  }
0x20: {  	[sflag:s0] =	ssyncset.done $0x0  }
0x21: {  	[sflag:s0] =	ssyncadd.s32 $0xFFFFFFC0  }
0x22: {  	v3 =	vld [tilespmem:$0x0];
	_ =	sdelay $0x4  }
0x23: {  	v4 =	vshll.u32 v3, $0x3  }
0x24: {  	v3 =	vand.u32 $0x7, v3;
	v4 =	vand.u32 $0xFFFFFFC0, v4  }
0x25: {  	v3 =	vor.u32 v3, v4  }
0x26: {  	v4 =	vperm.xlane v3, v0;
	_ =	sdelay $0x1  }
0x27: {  	v4 =	vadd.s32 v1, v4;
	_ =	sdelay $0x4  }
0x28: {  	[hbm4b:s3+s2] =	stream.indirect_vreg.scatter [tilespmem:s9], [sflag:$0x2], $0x80, v4, vm0, $0xb8;
	[tilespmem:$0x10100] =	vst v63  }
0x29: {  	s22 =	simm.s32 $0x900;
	v3 =	vperm.xlane v3, v2  }
0x2a: {  	[hbm4b:s4+s2] =	stream.indirect_vreg.scatter [tilespmem:s22], [sflag:$0x2], $0x80, v4, vm0, $0xb8;
	[tilespmem:$0x10100] =	vst v63  }
0x2b: {  	s23 =	simm.s32 $0x1100;
	v3 =	vadd.s32 v1, v3  }
0x2c: {  	[hbm4b:s5+s2] =	stream.indirect_vreg.scatter [tilespmem:s23], [sflag:$0x2], $0x80, v4, vm0, $0xb8;
	[tilespmem:$0x10100] =	vst v63  }
0x2d: {  	s24 =	simm.s32 $0x1900  }
0x2e: {  	[hbm4b:s6+s2] =	stream.indirect_vreg.scatter [tilespmem:s24], [sflag:$0x2], $0x80, v4, vm0, $0xb8;
	[tilespmem:$0x10100] =	vst v63  }
0x2f: {  	_ = 	snop  }
0x30: {  	[hbm4b:s3+s2] =	stream.indirect_vreg.scatter [tilespmem:s25], [sflag:$0x2], $0x80, v3, vm0, $0xb8;
	[tilespmem:$0x10100] =	vst v63  }
0x31: {  	_ = 	snop  }
0x32: {  	[hbm4b:s4+s2] =	stream.indirect_vreg.scatter [tilespmem:s26], [sflag:$0x2], $0x80, v3, vm0, $0xb8;
	[tilespmem:$0x10100] =	vst v63  }
0x33: {  	_ = 	snop  }
0x34: {  	[hbm4b:s5+s2] =	stream.indirect_vreg.scatter [tilespmem:s28], [sflag:$0x2], $0x80, v3, vm0, $0xb8;
	[tilespmem:$0x10100] =	vst v63  }
0x35: {  	_ = 	snop  }
0x36: {  	[hbm4b:s6+s2] =	stream.indirect_vreg.scatter [tilespmem:s29], [sflag:$0x2], $0x80, v3, vm0, $0xb8;
	[tilespmem:$0x10100] =	vst v63  }
0x37: {  	v3 =	vld [tilespmem:$0x10];
	_ =	sdelay $0x4  }
0x38: {  	v57 =	vshll.u32 v3, $0x3  }
0x39: {  	v3 =	vand.u32 $0x7, v3;
	v4 =	vand.u32 $0xFFFFFFC0, v57  }
0x3a: {  	v3 =	vor.u32 v3, v4  }
0x3b: {  	v4 =	vperm.xlane v3, v0;
	_ =	sdelay $0x1  }
0x3c: {  	v4 =	vadd.s32 v1, v4;
	_ =	sdelay $0x4  }
0x3d: {  	[hbm4b:s3+s2] =	stream.indirect_vreg.scatter [tilespmem:s30], [sflag:$0x2], $0x80, v4, vm0, $0xb8;
	[tilespmem:$0x10100] =	vst v63  }
0x3e: {  	v3 =	vperm.xlane v3, v2  }
0x3f: {  	[hbm4b:s4+s2] =	stream.indirect_vreg.scatter [tilespmem:s31], [sflag:$0x2], $0x80, v4, vm0, $0xb8;
	[tilespmem:$0x10100] =	vst v63  }
0x40: {  	s1 =	simm.s32 $0x5100;
	v3 =	vadd.s32 v1, v3  }
0x41: {  	[hbm4b:s5+s2] =	stream.indirect_vreg.scatter [tilespmem:s1], [sflag:$0x2], $0x80, v4, vm0, $0xb8;
	[tilespmem:$0x10100] =	vst v63  }
0x42: {  	s8 =	simm.s32 $0x5900  }
0x43: {  	[hbm4b:s6+s2] =	stream.indirect_vreg.scatter [tilespmem:s8], [sflag:$0x2], $0x80, v4, vm0, $0xb8;
	[tilespmem:$0x10100] =	vst v63  }
0x44: {  	_ = 	snop  }
0x45: {  	[hbm4b:s3+s2] =	stream.indirect_vreg.scatter [tilespmem:s12], [sflag:$0x2], $0x80, v3, vm0, $0xb8;
	[tilespmem:$0x10100] =	vst v63  }
0x46: {  	_ = 	snop  }
0x47: {  	[hbm4b:s4+s2] =	stream.indirect_vreg.scatter [tilespmem:s13], [sflag:$0x2], $0x80, v3, vm0, $0xb8;
	[tilespmem:$0x10100] =	vst v63  }
0x48: {  	_ = 	snop  }
0x49: {  	[hbm4b:s5+s2] =	stream.indirect_vreg.scatter [tilespmem:s14], [sflag:$0x2], $0x80, v3, vm0, $0xb8;
	[tilespmem:$0x10100] =	vst v63  }
0x4a: {  	_ = 	snop  }
0x4b: {  	[hbm4b:s6+s2] =	stream.indirect_vreg.scatter [tilespmem:s15], [sflag:$0x2], $0x80, v3, vm0, $0xb8;
	[tilespmem:$0x10100] =	vst v63  }
0x4c: {  	v3 =	vld [tilespmem:$0x20];
	_ =	sdelay $0x4  }
0x4d: {  	v58 =	vshll.u32 v3, $0x3  }
0x4e: {  	v3 =	vand.u32 $0x7, v3;
	v4 =	vand.u32 $0xFFFFFFC0, v58  }
0x4f: {  	v3 =	vor.u32 v3, v4  }
0x50: {  	v4 =	vperm.xlane v3, v0;
	_ =	sdelay $0x1  }
0x51: {  	v4 =	vadd.s32 v1, v4;
	_ =	sdelay $0x4  }
0x52: {  	[hbm4b:s3+s2] =	stream.indirect_vreg.scatter [tilespmem:s16], [sflag:$0x2], $0x80, v4, vm0, $0xb8;
	[tilespmem:$0x10100] =	vst v63  }
0x53: {  	v3 =	vperm.xlane v3, v2  }
0x54: {  	[hbm4b:s4+s2] =	stream.indirect_vreg.scatter [tilespmem:s17], [sflag:$0x2], $0x80, v4, vm0, $0xb8;
	[tilespmem:$0x10100] =	vst v63  }
0x55: {  	v3 =	vadd.s32 v1, v3  }
0x56: {  	[hbm4b:s5+s2] =	stream.indirect_vreg.scatter [tilespmem:s18], [sflag:$0x2], $0x80, v4, vm0, $0xb8;
	[tilespmem:$0x10100] =	vst v63  }
0x57: {  	_ = 	snop  }
0x58: {  	[hbm4b:s6+s2] =	stream.indirect_vreg.scatter [tilespmem:s19], [sflag:$0x2], $0x80, v4, vm0, $0xb8;
	[tilespmem:$0x10100] =	vst v63  }
0x59: {  	_ = 	snop  }
0x5a: {  	[hbm4b:s3+s2] =	stream.indirect_vreg.scatter [tilespmem:s20], [sflag:$0x2], $0x80, v3, vm0, $0xb8;
	[tilespmem:$0x10100] =	vst v63  }
0x5b: {  	_ = 	snop  }
0x5c: {  	[hbm4b:s4+s2] =	stream.indirect_vreg.scatter [tilespmem:s21], [sflag:$0x2], $0x80, v3, vm0, $0xb8;
	[tilespmem:$0x10100] =	vst v63  }
0x5d: {  	s8 =	simm.s32 $0xB100  }
0x5e: {  	[hbm4b:s5+s2] =	stream.indirect_vreg.scatter [tilespmem:s8], [sflag:$0x2], $0x80, v3, vm0, $0xb8;
	[tilespmem:$0x10100] =	vst v63  }
0x5f: {  	_ = 	snop  }
0x60: {  	[hbm4b:s6+s2] =	stream.indirect_vreg.scatter [tilespmem:s10], [sflag:$0x2], $0x80, v3, vm0, $0xb8;
	[tilespmem:$0x10100] =	vst v63  }
0x61: {  	v3 =	vld [tilespmem:$0x30];
	_ =	sdelay $0x4  }
0x62: {  	v59 =	vshll.u32 v3, $0x3  }
0x63: {  	v3 =	vand.u32 $0x7, v3;
	v4 =	vand.u32 $0xFFFFFFC0, v59  }
0x64: {  	v3 =	vor.u32 v3, v4  }
0x65: {  	v4 =	vperm.xlane v3, v0;
	_ =	sdelay $0x1  }
0x66: {  	v4 =	vadd.s32 v1, v4;
	_ =	sdelay $0x3  }
0x67: {  	s1 =	simm.s32 $0xC100  }
0x68: {  	[hbm4b:s3+s2] =	stream.indirect_vreg.scatter [tilespmem:s1], [sflag:$0x2], $0x80, v4, vm0, $0xb8;
	[tilespmem:$0x10100] =	vst v63  }
0x69: {  	v3 =	vperm.xlane v3, v2;
	s1 =	simm.s32 $0xC900  }
0x6a: {  	[hbm4b:s4+s2] =	stream.indirect_vreg.scatter [tilespmem:s1], [sflag:$0x2], $0x80, v4, vm0, $0xb8;
	[tilespmem:$0x10100] =	vst v63  }
0x6b: {  	v3 =	vadd.s32 v1, v3;
	s1 =	simm.s32 $0xD100  }
0x6c: {  	[hbm4b:s5+s2] =	stream.indirect_vreg.scatter [tilespmem:s1], [sflag:$0x2], $0x80, v4, vm0, $0xb8;
	[tilespmem:$0x10100] =	vst v63  }
0x6d: {  	s1 =	simm.s32 $0xD900  }
0x6e: {  	[hbm4b:s6+s2] =	stream.indirect_vreg.scatter [tilespmem:s1], [sflag:$0x2], $0x80, v4, vm0, $0xb8;
	[tilespmem:$0x10100] =	vst v63  }
0x6f: {  	s1 =	simm.s32 $0xE100  }
0x70: {  	[hbm4b:s3+s2] =	stream.indirect_vreg.scatter [tilespmem:s1], [sflag:$0x2], $0x80, v3, vm0, $0xb8;
	[tilespmem:$0x10100] =	vst v63  }
0x71: {  	s1 =	simm.s32 $0xE900  }
0x72: {  	[hbm4b:s4+s2] =	stream.indirect_vreg.scatter [tilespmem:s1], [sflag:$0x2], $0x80, v3, vm0, $0xb8;
	[tilespmem:$0x10100] =	vst v63  }
0x73: {  	s1 =	simm.s32 $0xF100  }
0x74: {  	[hbm4b:s5+s2] =	stream.indirect_vreg.scatter [tilespmem:s1], [sflag:$0x2], $0x80, v3, vm0, $0xb8;
	[tilespmem:$0x10100] =	vst v63  }
0x75: {  	s1 =	simm.s32 $0xF900  }
0x76: {  	[hbm4b:s6+s2] =	stream.indirect_vreg.scatter [tilespmem:s1], [sflag:$0x2], $0x80, v3, vm0, $0xb8;
	[tilespmem:$0x10100] =	vst v63  }
0x77: {  	v3 =	vld [tilespmem:$0x80];
	_ =	sdelay $0x4  }
0x78: {  	v60 =	vshll.u32 v3, $0x3  }
0x79: {  	v3 =	vand.u32 $0x7, v3;
	v4 =	vand.u32 $0xFFFFFFC0, v60  }
0x7a: {  	v3 =	vor.u32 v3, v4  }
0x7b: {  	v4 =	vperm.xlane v3, v0;
	_ =	sdelay $0x1  }
0x7c: {  	v4 =	vadd.s32 v1, v4;
	_ =	sdelay $0x4  }
0x7d: {  	[hbm4b:s3+s2] =	stream.indirect_vreg.scatter [tilespmem:s9], [sflag:$0x3], $0x80, v4, vm0, $0xb8;
	[tilespmem:$0x10100] =	vst v63  }
0x7e: {  	v3 =	vperm.xlane v3, v2  }
0x7f: {  	[hbm4b:s4+s2] =	stream.indirect_vreg.scatter [tilespmem:s22], [sflag:$0x3], $0x80, v4, vm0, $0xb8;
	[tilespmem:$0x10100] =	vst v63  }
0x80: {  	v3 =	vadd.s32 v1, v3  }
0x81: {  	[hbm4b:s5+s2] =	stream.indirect_vreg.scatter [tilespmem:s23], [sflag:$0x3], $0x80, v4, vm0, $0xb8;
	[tilespmem:$0x10100] =	vst v63  }
0x82: {  	_ = 	snop  }
0x83: {  	[hbm4b:s6+s2] =	stream.indirect_vreg.scatter [tilespmem:s24], [sflag:$0x3], $0x80, v4, vm0, $0xb8;
	[tilespmem:$0x10100] =	vst v63  }
0x84: {  	_ = 	snop  }
0x85: {  	[hbm4b:s3+s2] =	stream.indirect_vreg.scatter [tilespmem:s25], [sflag:$0x3], $0x80, v3, vm0, $0xb8;
	[tilespmem:$0x10100] =	vst v63  }
0x86: {  	_ = 	snop  }
0x87: {  	[hbm4b:s4+s2] =	stream.indirect_vreg.scatter [tilespmem:s26], [sflag:$0x3], $0x80, v3, vm0, $0xb8;
	[tilespmem:$0x10100] =	vst v63  }
0x88: {  	_ = 	snop  }
0x89: {  	[hbm4b:s5+s2] =	stream.indirect_vreg.scatter [tilespmem:s28], [sflag:$0x3], $0x80, v3, vm0, $0xb8;
	[tilespmem:$0x10100] =	vst v63  }
0x8a: {  	_ = 	snop  }
0x8b: {  	[hbm4b:s6+s2] =	stream.indirect_vreg.scatter [tilespmem:s29], [sflag:$0x3], $0x80, v3, vm0, $0xb8;
	[tilespmem:$0x10100] =	vst v63  }
0x8c: {  	v3 =	vld [tilespmem:$0x90];
	_ =	sdelay $0x4  }
0x8d: {  	v61 =	vshll.u32 v3, $0x3  }
0x8e: {  	v3 =	vand.u32 $0x7, v3;
	v4 =	vand.u32 $0xFFFFFFC0, v61  }
0x8f: {  	v3 =	vor.u32 v3, v4  }
0x90: {  	v4 =	vperm.xlane v3, v0;
	_ =	sdelay $0x1  }
0x91: {  	v4 =	vadd.s32 v1, v4;
	_ =	sdelay $0x4  }
0x92: {  	[hbm4b:s3+s2] =	stream.indirect_vreg.scatter [tilespmem:s30], [sflag:$0x3], $0x80, v4, vm0, $0xb8;
	[tilespmem:$0x10100] =	vst v63  }
0x93: {  	v3 =	vperm.xlane v3, v2  }
0x94: {  	[hbm4b:s4+s2] =	stream.indirect_vreg.scatter [tilespmem:s31], [sflag:$0x3], $0x80, v4, vm0, $0xb8;
	[tilespmem:$0x10100] =	vst v63  }
0x95: {  	s23 =	simm.s32 $0x5100;
	v3 =	vadd.s32 v1, v3  }
0x96: {  	[hbm4b:s5+s2] =	stream.indirect_vreg.scatter [tilespmem:s23], [sflag:$0x3], $0x80, v4, vm0, $0xb8;
	[tilespmem:$0x10100] =	vst v63  }
0x97: {  	s24 =	simm.s32 $0x5900  }
0x98: {  	[hbm4b:s6+s2] =	stream.indirect_vreg.scatter [tilespmem:s24], [sflag:$0x3], $0x80, v4, vm0, $0xb8;
	[tilespmem:$0x10100] =	vst v63  }
0x99: {  	_ = 	snop  }
0x9a: {  	[hbm4b:s3+s2] =	stream.indirect_vreg.scatter [tilespmem:s12], [sflag:$0x3], $0x80, v3, vm0, $0xb8;
	[tilespmem:$0x10100] =	vst v63  }
0x9b: {  	_ = 	snop  }
0x9c: {  	[hbm4b:s4+s2] =	stream.indirect_vreg.scatter [tilespmem:s13], [sflag:$0x3], $0x80, v3, vm0, $0xb8;
	[tilespmem:$0x10100] =	vst v63  }
0x9d: {  	_ = 	snop  }
0x9e: {  	[hbm4b:s5+s2] =	stream.indirect_vreg.scatter [tilespmem:s14], [sflag:$0x3], $0x80, v3, vm0, $0xb8;
	[tilespmem:$0x10100] =	vst v63  }
0x9f: {  	_ = 	snop  }
0xa0: {  	[hbm4b:s6+s2] =	stream.indirect_vreg.scatter [tilespmem:s15], [sflag:$0x3], $0x80, v3, vm0, $0xb8;
	[tilespmem:$0x10100] =	vst v63  }
0xa1: {  	v3 =	vld [tilespmem:$0xA0];
	_ =	sdelay $0x4  }
0xa2: {  	v62 =	vshll.u32 v3, $0x3  }
0xa3: {  	v3 =	vand.u32 $0x7, v3;
	v4 =	vand.u32 $0xFFFFFFC0, v62  }
0xa4: {  	v3 =	vor.u32 v3, v4  }
0xa5: {  	v4 =	vperm.xlane v3, v0;
	_ =	sdelay $0x1  }
0xa6: {  	v4 =	vadd.s32 v1, v4;
	_ =	sdelay $0x4  }
0xa7: {  	[hbm4b:s3+s2] =	stream.indirect_vreg.scatter [tilespmem:s16], [sflag:$0x3], $0x80, v4, vm0, $0xb8;
	[tilespmem:$0x10100] =	vst v63  }
0xa8: {  	v3 =	vperm.xlane v3, v2  }
0xa9: {  	[hbm4b:s4+s2] =	stream.indirect_vreg.scatter [tilespmem:s17], [sflag:$0x3], $0x80, v4, vm0, $0xb8;
	[tilespmem:$0x10100] =	vst v63  }
0xaa: {  	v3 =	vadd.s32 v1, v3  }
0xab: {  	[hbm4b:s5+s2] =	stream.indirect_vreg.scatter [tilespmem:s18], [sflag:$0x3], $0x80, v4, vm0, $0xb8;
	[tilespmem:$0x10100] =	vst v63  }
0xac: {  	_ = 	snop  }
0xad: {  	[hbm4b:s6+s2] =	stream.indirect_vreg.scatter [tilespmem:s19], [sflag:$0x3], $0x80, v4, vm0, $0xb8;
	[tilespmem:$0x10100] =	vst v63  }
0xae: {  	_ = 	snop  }
0xaf: {  	[hbm4b:s3+s2] =	stream.indirect_vreg.scatter [tilespmem:s20], [sflag:$0x3], $0x80, v3, vm0, $0xb8;
	[tilespmem:$0x10100] =	vst v63  }
0xb0: {  	_ = 	snop  }
0xb1: {  	[hbm4b:s4+s2] =	stream.indirect_vreg.scatter [tilespmem:s21], [sflag:$0x3], $0x80, v3, vm0, $0xb8;
	[tilespmem:$0x10100] =	vst v63  }
0xb2: {  	_ = 	snop  }
0xb3: {  	[hbm4b:s5+s2] =	stream.indirect_vreg.scatter [tilespmem:s8], [sflag:$0x3], $0x80, v3, vm0, $0xb8;
	[tilespmem:$0x10100] =	vst v63  }
0xb4: {  	_ = 	snop  }
0xb5: {  	[hbm4b:s6+s2] =	stream.indirect_vreg.scatter [tilespmem:s10], [sflag:$0x3], $0x80, v3, vm0, $0xb8;
	[tilespmem:$0x10100] =	vst v63  }
0xb6: {  	v3 =	vld [tilespmem:$0xB0];
	_ =	sdelay $0x4  }
0xb7: {  	v63 =	vshll.u32 v3, $0x3  }
0xb8: {  	v3 =	vand.u32 $0x7, v3;
	v4 =	vand.u32 $0xFFFFFFC0, v63  }
0xb9: {  	v3 =	vor.u32 v3, v4  }
0xba: {  	v4 =	vperm.xlane v3, v0;
	_ =	sdelay $0x1  }
0xbb: {  	v4 =	vadd.s32 v1, v4;
	_ =	sdelay $0x3  }
0xbc: {  	s22 =	simm.s32 $0xC100  }
0xbd: {  	[hbm4b:s3+s2] =	stream.indirect_vreg.scatter [tilespmem:s22], [sflag:$0x3], $0x80, v4, vm0, $0xb8;
	[tilespmem:$0x10100] =	vst v63  }
0xbe: {  	s23 =	simm.s32 $0xC900;
	v3 =	vperm.xlane v3, v2  }
0xbf: {  	[hbm4b:s4+s2] =	stream.indirect_vreg.scatter [tilespmem:s23], [sflag:$0x3], $0x80, v4, vm0, $0xb8;
	[tilespmem:$0x10100] =	vst v63  }
0xc0: {  	s24 =	simm.s32 $0xD100;
	v3 =	vadd.s32 v1, v3  }
0xc1: {  	[hbm4b:s5+s2] =	stream.indirect_vreg.scatter [tilespmem:s24], [sflag:$0x3], $0x80, v4, vm0, $0xb8;
	[tilespmem:$0x10100] =	vst v63  }
0xc2: {  	s9 =	simm.s32 $0xD900  }
0xc3: {  	[hbm4b:s6+s2] =	stream.indirect_vreg.scatter [tilespmem:s9], [sflag:$0x3], $0x80, v4, vm0, $0xb8;
	[tilespmem:$0x10100] =	vst v63  }
0xc4: {  	s22 =	simm.s32 $0xE100  }
0xc5: {  	[hbm4b:s3+s2] =	stream.indirect_vreg.scatter [tilespmem:s22], [sflag:$0x3], $0x80, v3, vm0, $0xb8;
	[tilespmem:$0x10100] =	vst v63  }
0xc6: {  	s23 =	simm.s32 $0xE900  }
0xc7: {  	[hbm4b:s4+s2] =	stream.indirect_vreg.scatter [tilespmem:s23], [sflag:$0x3], $0x80, v3, vm0, $0xb8;
	[tilespmem:$0x10100] =	vst v63  }
0xc8: {  	s24 =	simm.s32 $0xF100  }
0xc9: {  	[hbm4b:s5+s2] =	stream.indirect_vreg.scatter [tilespmem:s24], [sflag:$0x3], $0x80, v3, vm0, $0xb8;
	[tilespmem:$0x10100] =	vst v63  }
0xca: {  	_ = 	snop  }
0xcb: {  	[hbm4b:s6+s2] =	stream.indirect_vreg.scatter [tilespmem:s1], [sflag:$0x3], $0x80, v3, vm0, $0xb8;
	[tilespmem:$0x10100] =	vst v63  }
0xcc: {  	p0 =	sne.s32 s7, $0x1;
	_ =	swait.ge [sflag:s11], $0x10000  }
.Ltmp0:
0xcd: {  	[sflag:s11] =	ssyncset.done $0x0;
	(pc) =	sbr.rel @p0 .LBB2_1-.Ltmp0, $4  }
0xce: {  	[sflag:s11] =	ssyncadd.s32 $0xFFFF0000  }
0xcf: {  	_ =	swait.ge [sflag:s0], $0x10000  }
0xd0: {  	[sflag:s0] =	ssyncset.done $0x0  }
0xd1: {  	s7 =	sadd.s32 $0xFFFFFFFF, s7;
	[sflag:s0] =	ssyncadd.s32 $0xFFFF0000  }
0xd2: {  	_ =	sfence.sel $0x180000  }
0xd3: {  	[bflag:$0x0] =	sbarrier.arrive $0xFFFF  }
0xd4: {  	_ =	strace $0x90000047  }
0xd5: {  	s0 =	stileid.u32;
	[bflag:$0x2] =	sbarrier.arrive $0xFFFF  }
0xd6: {  	p0 =	sne.s32 s0, $0x0;
	s0 =	rddreg [dreg:$0x2]  }
0xd7: {  	s0 =	sadd.s32 @!p0 $0x100000, s0  }
0xd8: {  	[sflag:s0] =	ssyncadd.tile.s32 @!p0 $0x1;
	_ =	shalt  }
.Lfunc_end2:
_tile_overlayer_lowered:
.L_overlay_start_2:
0xd9: {  	(tag) =	ssettag $0x2  }
0xda: {  	s0 =	rddreg [dreg:$0x0];
	s2 =	stileid.u32  }
0xdb: {  	s1 =	rddreg [dreg:$0x1];
	p0 =	sne.s32 s2, $0x0  }
0xdc: {  	s3 =	rddreg [dreg:$0x2];
	[bflag:$0x3] =	sbarrier.arrive $0xFFFF;
	s2 =	simm.s32 @!p0 $0x1C04  }
0xdd: {  	[timem:s3], [sflag:s2] =	dma.local @!p0 [hbm:s0], s1  }
0xde: {  	s0 =	simm.s32 @!p0 $0x4  }
0xdf: {  	_ =	swait.ge @!p0 [sflag:s0], s1  }
0xe0: {  	s1 =	ssub.s32 @!p0 $0x0, s1;
	[sflag:s0] =	ssyncset.done @!p0 $0x0  }
0xe1: {  	[sflag:s0] =	ssyncadd.s32 @!p0 s1  }
0xe2: {  	[bflag:$0x3] =	sbarrier.arrive $0xFFFF  }
0xe3: {  	_ =	shalt  }

</sc_bundles>
